<compile_context>
chip_gen: v7x
topology: tpu7x:2x2x1
jax: 0.10.2.dev20260603
libtpu: 0.0.44.dev20260713+nightly
codegen_flags: <defaults>
</compile_context>

<pallas_src>
import functools

import jax
import jax.numpy as jnp
from jax import lax
from jax.experimental import pallas as pl
from jax.experimental.pallas import tpu as pltpu
from jax.experimental.pallas import tpu_sc as plsc

K = 32000
N = 4096
SMOOTH = 0.1
CONF = 1.0 - SMOOTH
EPS = SMOOTH / (K - 1)
CM = CONF - EPS

NC = 2
NS = 16
NW = NC * NS
L = 16


def _sc_gather_body(pred_hbm, tgt_hbm, out_hbm, tgt_v, idx_v, val_v, acc_v, sem):
    bpw = N // NW
    wid = lax.axis_index("s") * NC + lax.axis_index("c")
    base = wid * bpw
    pltpu.sync_copy(tgt_hbm.at[pl.ds(base, bpw)], tgt_v)
    for j in range(bpw // L):
        t = tgt_v[pl.ds(j * L, L)]
        rows = base + j * L + lax.iota(jnp.int32, L)
        idx_v[pl.ds(j * L, L)] = rows * K + t
    pltpu.async_copy(pred_hbm.at[idx_v], val_v, sem).wait()
    acc = val_v[pl.ds(0, L)]
    for j in range(1, bpw // L):
        acc = acc + val_v[pl.ds(j * L, L)]
    acc_v[...] = acc
    pltpu.sync_copy(acc_v, out_hbm.at[pl.ds(wid * L, L)])


@functools.cache
def _sc_gather():
    return pl.kernel(
        _sc_gather_body,
        out_type=jax.ShapeDtypeStruct((NW * L,), jnp.float32),
        mesh=plsc.VectorSubcoreMesh(
            core_axis_name="c", subcore_axis_name="s", num_cores=NC, num_subcores=NS
        ),
        scratch_types=[
            pltpu.VMEM((N // NW,), jnp.int32),
            pltpu.VMEM((N // NW,), jnp.int32),
            pltpu.VMEM((N // NW,), jnp.float32),
            pltpu.VMEM((L,), jnp.float32),
            pltpu.SemaphoreType.DMA,
        ],
    )


def _row_stats(ref, block_rows, chunk):
    nchunks = K // chunk
    s = jnp.zeros((block_rows, chunk), jnp.float32)
    se = jnp.zeros((block_rows, chunk), jnp.float32)
    for c in range(nchunks):
        xc = ref[:, c * chunk:(c + 1) * chunk]
        s = s + xc
        se = se + jnp.exp(xc)
    lse = jnp.log(jnp.sum(se, axis=1, keepdims=True))
    srow = jnp.sum(s, axis=1, keepdims=True)
    return jnp.sum(lse - EPS * srow)


def _tc_body(*refs, nsteps, block_rows, chunk):
    pred_refs = refs[:-3]
    part_ref, out_ref, acc_ref = refs[-3:]
    i = pl.program_id(0)
    part = sum(_row_stats(r, block_rows, chunk) for r in pred_refs)

    @pl.when(i == 0)
    def _init():
        acc_ref[0] = -CM * jnp.sum(part_ref[...])

    acc_ref[0] += part

    @pl.when(i == nsteps - 1)
    def _fini():
        out_ref[0, 0] = acc_ref[0] * (1.0 / N)


def _tc_loss(pred2d, partials, block_rows, nsplit):
    rows_per_split = N // nsplit
    nsteps = rows_per_split // block_rows
    blocks_per_split = rows_per_split // block_rows
    body = functools.partial(
        _tc_body, nsteps=nsteps, block_rows=block_rows, chunk=256
    )

    def _mk_map(j):
        return lambda i: (j * blocks_per_split + i, 0)

    out = pl.pallas_call(
        body,
        grid=(nsteps,),
        in_specs=[
            pl.BlockSpec((block_rows, K), _mk_map(j)) for j in range(nsplit)
        ]
        + [pl.BlockSpec((4, 128), lambda i: (0, 0))],
        out_specs=pl.BlockSpec((1, 1), lambda i: (0, 0), memory_space=pltpu.SMEM),
        out_shape=jax.ShapeDtypeStruct((1, 1), jnp.float32),
        scratch_shapes=[pltpu.SMEM((1,), jnp.float32)],
    )(*([pred2d] * nsplit), partials)
    return out[0, 0]


def kernel(pred, target):
    pred2d = pred.reshape(-1, K)
    tgt = target.reshape(-1).astype(jnp.int32)
    partials = _sc_gather()(pred2d.reshape(-1), tgt)
    return _tc_loss(pred2d, partials.reshape(4, 128), block_rows=64, nsplit=2)

# --- scband reference (transcript-rebuilt; emitter-appended) ---
"""Pipeline reference for scband-label-smoothing-loss-38766374813887 (READ-ONLY COPY).

The authoritative reference and input builder live on the scoring server;
editing this copy changes nothing except your own understanding.
"""

import jax, jax.numpy as jnp
import numpy as np

NUM_CLASSES = 32000
SMOOTHING = 0.1
CONFIDENCE = 1.0 - SMOOTHING


def setup_inputs(seed: int = 0) -> dict:
    key = jax.random.key(seed)
    k1, k2 = jax.random.split(key)
    pred = jax.random.normal(k1, (2, 2048, NUM_CLASSES), dtype=jnp.float32)
    target = jax.random.randint(k2, (2, 2048), 0, NUM_CLASSES, dtype=jnp.int64 if jax.config.jax_enable_x64 else jnp.int32)
    return {"pred": pred, "target": target}


def reference(pred, target):
    pred_flat = pred.reshape(-1, NUM_CLASSES)
    target_flat = target.reshape(-1)
    # build smoothed true distribution (constant w.r.t. pred, like torch.no_grad)
    true_dist = jnp.full_like(pred_flat, SMOOTHING / (NUM_CLASSES - 1))
    rows = jnp.arange(target_flat.shape[0])
    true_dist = true_dist.at[rows, target_flat].set(CONFIDENCE)
    true_dist = jax.lax.stop_gradient(true_dist)
    log_probs = jax.nn.log_softmax(pred_flat, axis=-1)
    loss = -(true_dist * log_probs).sum(axis=-1)
    return loss.mean()

if __name__ == "__main__":
    import jax
    _d = setup_inputs()
    print(jax.jit(kernel)(*tuple(_d.values())))

</pallas_src>

<mosaic_0001>
#map = affine_map<(d0, d1) -> (0)>
module attributes {stable_mosaic.version = 14 : i64} {
  func.func @_sc_gather_body(%arg0: i32, %arg1: i32, %arg2: memref<131072000xf32, #tpu.memory_space<hbm>>, %arg3: memref<4096xi32, #tpu.memory_space<hbm>>, %arg4: memref<512xf32, #tpu.memory_space<hbm>>, %arg5: memref<128xi32, #tpu.memory_space<vmem>>, %arg6: memref<128xi32, #tpu.memory_space<vmem>>, %arg7: memref<128xf32, #tpu.memory_space<vmem>>, %arg8: memref<16xf32, #tpu.memory_space<vmem>>, %arg9: memref<!tpu.dma_semaphore, #tpu.memory_space<semaphore_mem>>) attributes {dimension_semantics = [#tpu.dimension_semantics<core_parallel>, #tpu.dimension_semantics<subcore_parallel>], iteration_bounds = array<i64: 2, 16>, scalar_prefetch = 0 : i64, scratch_operands = 5 : i64, tpu.core_type = #tpu.core_type<sc_vector_subcore>, window_params = [{transform_indices = #map}, {transform_indices = #map}, {transform_indices = #map}]} {
    %mul3A = arith.constant 2 : i32
    %mul3A_0 = arith.muli %arg1, %mul3A : i32
    %add3A = arith.addi %mul3A_0, %arg0 : i32
    %mul3A_1 = arith.constant 128 : i32
    %mul3A_2 = arith.muli %add3A, %mul3A_1 : i32
    "tpu.region"() ({
      %run_scoped3A = tpu.sem_alloc : memref<!tpu.dma_semaphore, #tpu.memory_space<semaphore_mem>>
      %dma_start3A_167 = tpu.memref_slice %arg3[%mul3A_2] : memref<4096xi32, #tpu.memory_space<hbm>> -> memref<128xi32, #tpu.memory_space<hbm>>
      %dma_start3A_168 = tpu.memref_slice %arg3[%mul3A_2] : memref<4096xi32, #tpu.memory_space<hbm>> -> memref<128xi32, #tpu.memory_space<hbm>>
      tpu.enqueue_dma source(%dma_start3A_168 : memref<128xi32, #tpu.memory_space<hbm>>) target(%arg5 : memref<128xi32, #tpu.memory_space<vmem>>) target_semaphore(%run_scoped3A : memref<!tpu.dma_semaphore, #tpu.memory_space<semaphore_mem>>)
      %dma_wait3A_169 = tpu.memref_slice %arg3[%mul3A_2] : memref<4096xi32, #tpu.memory_space<hbm>> -> memref<128xi32, #tpu.memory_space<hbm>>
      %dma_wait3A_170 = tpu.memref_slice %arg3[%mul3A_2] : memref<4096xi32, #tpu.memory_space<hbm>> -> memref<128xi32, #tpu.memory_space<hbm>>
      tpu.wait_dma2 semaphore(%run_scoped3A : memref<!tpu.dma_semaphore, #tpu.memory_space<semaphore_mem>>) src(%dma_wait3A_170 : memref<128xi32, #tpu.memory_space<hbm>>) dst(%arg5 : memref<128xi32, #tpu.memory_space<vmem>>)
      tpu.yield
    }) : () -> ()
    %get3A = arith.constant 0 : index
    %get3A_3 = tpu.vector_load %arg5[%get3A] {strides = array<i32>} : memref<128xi32, #tpu.memory_space<vmem>>, vector<16xi32>,
    %get3A_4 = vector.shape_cast %get3A_3 : vector<16xi32> to vector<16xi32>
    %add3A_5 = arith.constant 0 : i32
    %add3A_6 = arith.addi %mul3A_2, %add3A_5 : i32
    %iota3A = tpu.iota {dimensions = array<i32: 0>} : vector<16xi32>
    %add3A_7 = vector.broadcast %add3A_6 : i32 to vector<16xi32>
    %add3A_8 = arith.addi %add3A_7, %iota3A : vector<16xi32>
    %mul3A_9 = arith.constant 32000 : i32
    %mul3A_10 = vector.broadcast %mul3A_9 : i32 to vector<16xi32>
    %mul3A_11 = arith.muli %add3A_8, %mul3A_10 : vector<16xi32>
    %add3A_12 = arith.addi %mul3A_11, %get3A_4 : vector<16xi32>
    %swap3A = arith.constant 0 : index
    %swap3A_13 = tpu.vector_load %arg6[%swap3A] {strides = array<i32>} : memref<128xi32, #tpu.memory_space<vmem>>, vector<16xi32>,
    %swap3A_14 = vector.shape_cast %swap3A_13 : vector<16xi32> to vector<16xi32>
    %swap3A_15 = vector.shape_cast %add3A_12 : vector<16xi32> to vector<16xi32>
    tpu.vector_store %arg6[%swap3A], %swap3A_15 {strides = array<i32>} : memref<128xi32, #tpu.memory_space<vmem>>, vector<16xi32>,
    %get3A_16 = arith.constant 16 : index
    %get3A_17 = tpu.vector_load %arg5[%get3A_16] {strides = array<i32>} : memref<128xi32, #tpu.memory_space<vmem>>, vector<16xi32>,
    %get3A_18 = vector.shape_cast %get3A_17 : vector<16xi32> to vector<16xi32>
    %add3A_19 = arith.constant 16 : i32
    %add3A_20 = arith.addi %mul3A_2, %add3A_19 : i32
    %iota3A_21 = tpu.iota {dimensions = array<i32: 0>} : vector<16xi32>
    %add3A_22 = vector.broadcast %add3A_20 : i32 to vector<16xi32>
    %add3A_23 = arith.addi %add3A_22, %iota3A_21 : vector<16xi32>
    %mul3A_24 = arith.constant 32000 : i32
    %mul3A_25 = vector.broadcast %mul3A_24 : i32 to vector<16xi32>
    %mul3A_26 = arith.muli %add3A_23, %mul3A_25 : vector<16xi32>
    %add3A_27 = arith.addi %mul3A_26, %get3A_18 : vector<16xi32>
    %swap3A_28 = arith.constant 16 : index
    %swap3A_29 = tpu.vector_load %arg6[%swap3A_28] {strides = array<i32>} : memref<128xi32, #tpu.memory_space<vmem>>, vector<16xi32>,
    %swap3A_30 = vector.shape_cast %swap3A_29 : vector<16xi32> to vector<16xi32>
    %swap3A_31 = vector.shape_cast %add3A_27 : vector<16xi32> to vector<16xi32>
    tpu.vector_store %arg6[%swap3A_28], %swap3A_31 {strides = array<i32>} : memref<128xi32, #tpu.memory_space<vmem>>, vector<16xi32>,
    %get3A_32 = arith.constant 32 : index
    %get3A_33 = tpu.vector_load %arg5[%get3A_32] {strides = array<i32>} : memref<128xi32, #tpu.memory_space<vmem>>, vector<16xi32>,
    %get3A_34 = vector.shape_cast %get3A_33 : vector<16xi32> to vector<16xi32>
    %add3A_35 = arith.constant 32 : i32
    %add3A_36 = arith.addi %mul3A_2, %add3A_35 : i32
    %iota3A_37 = tpu.iota {dimensions = array<i32: 0>} : vector<16xi32>
    %add3A_38 = vector.broadcast %add3A_36 : i32 to vector<16xi32>
    %add3A_39 = arith.addi %add3A_38, %iota3A_37 : vector<16xi32>
    %mul3A_40 = arith.constant 32000 : i32
    %mul3A_41 = vector.broadcast %mul3A_40 : i32 to vector<16xi32>
    %mul3A_42 = arith.muli %add3A_39, %mul3A_41 : vector<16xi32>
    %add3A_43 = arith.addi %mul3A_42, %get3A_34 : vector<16xi32>
    %swap3A_44 = arith.constant 32 : index
    %swap3A_45 = tpu.vector_load %arg6[%swap3A_44] {strides = array<i32>} : memref<128xi32, #tpu.memory_space<vmem>>, vector<16xi32>,
    %swap3A_46 = vector.shape_cast %swap3A_45 : vector<16xi32> to vector<16xi32>
    %swap3A_47 = vector.shape_cast %add3A_43 : vector<16xi32> to vector<16xi32>
    tpu.vector_store %arg6[%swap3A_44], %swap3A_47 {strides = array<i32>} : memref<128xi32, #tpu.memory_space<vmem>>, vector<16xi32>,
    %get3A_48 = arith.constant 48 : index
    %get3A_49 = tpu.vector_load %arg5[%get3A_48] {strides = array<i32>} : memref<128xi32, #tpu.memory_space<vmem>>, vector<16xi32>,
    %get3A_50 = vector.shape_cast %get3A_49 : vector<16xi32> to vector<16xi32>
    %add3A_51 = arith.constant 48 : i32
    %add3A_52 = arith.addi %mul3A_2, %add3A_51 : i32
    %iota3A_53 = tpu.iota {dimensions = array<i32: 0>} : vector<16xi32>
    %add3A_54 = vector.broadcast %add3A_52 : i32 to vector<16xi32>
    %add3A_55 = arith.addi %add3A_54, %iota3A_53 : vector<16xi32>
    %mul3A_56 = arith.constant 32000 : i32
    %mul3A_57 = vector.broadcast %mul3A_56 : i32 to vector<16xi32>
    %mul3A_58 = arith.muli %add3A_55, %mul3A_57 : vector<16xi32>
    %add3A_59 = arith.addi %mul3A_58, %get3A_50 : vector<16xi32>
    %swap3A_60 = arith.constant 48 : index
    %swap3A_61 = tpu.vector_load %arg6[%swap3A_60] {strides = array<i32>} : memref<128xi32, #tpu.memory_space<vmem>>, vector<16xi32>,
    %swap3A_62 = vector.shape_cast %swap3A_61 : vector<16xi32> to vector<16xi32>
    %swap3A_63 = vector.shape_cast %add3A_59 : vector<16xi32> to vector<16xi32>
    tpu.vector_store %arg6[%swap3A_60], %swap3A_63 {strides = array<i32>} : memref<128xi32, #tpu.memory_space<vmem>>, vector<16xi32>,
    %get3A_64 = arith.constant 64 : index
    %get3A_65 = tpu.vector_load %arg5[%get3A_64] {strides = array<i32>} : memref<128xi32, #tpu.memory_space<vmem>>, vector<16xi32>,
    %get3A_66 = vector.shape_cast %get3A_65 : vector<16xi32> to vector<16xi32>
    %add3A_67 = arith.constant 64 : i32
    %add3A_68 = arith.addi %mul3A_2, %add3A_67 : i32
    %iota3A_69 = tpu.iota {dimensions = array<i32: 0>} : vector<16xi32>
    %add3A_70 = vector.broadcast %add3A_68 : i32 to vector<16xi32>
    %add3A_71 = arith.addi %add3A_70, %iota3A_69 : vector<16xi32>
    %mul3A_72 = arith.constant 32000 : i32
    %mul3A_73 = vector.broadcast %mul3A_72 : i32 to vector<16xi32>
    %mul3A_74 = arith.muli %add3A_71, %mul3A_73 : vector<16xi32>
    %add3A_75 = arith.addi %mul3A_74, %get3A_66 : vector<16xi32>
    %swap3A_76 = arith.constant 64 : index
    %swap3A_77 = tpu.vector_load %arg6[%swap3A_76] {strides = array<i32>} : memref<128xi32, #tpu.memory_space<vmem>>, vector<16xi32>,
    %swap3A_78 = vector.shape_cast %swap3A_77 : vector<16xi32> to vector<16xi32>
    %swap3A_79 = vector.shape_cast %add3A_75 : vector<16xi32> to vector<16xi32>
    tpu.vector_store %arg6[%swap3A_76], %swap3A_79 {strides = array<i32>} : memref<128xi32, #tpu.memory_space<vmem>>, vector<16xi32>,
    %get3A_80 = arith.constant 80 : index
    %get3A_81 = tpu.vector_load %arg5[%get3A_80] {strides = array<i32>} : memref<128xi32, #tpu.memory_space<vmem>>, vector<16xi32>,
    %get3A_82 = vector.shape_cast %get3A_81 : vector<16xi32> to vector<16xi32>
    %add3A_83 = arith.constant 80 : i32
    %add3A_84 = arith.addi %mul3A_2, %add3A_83 : i32
    %iota3A_85 = tpu.iota {dimensions = array<i32: 0>} : vector<16xi32>
    %add3A_86 = vector.broadcast %add3A_84 : i32 to vector<16xi32>
    %add3A_87 = arith.addi %add3A_86, %iota3A_85 : vector<16xi32>
    %mul3A_88 = arith.constant 32000 : i32
    %mul3A_89 = vector.broadcast %mul3A_88 : i32 to vector<16xi32>
    %mul3A_90 = arith.muli %add3A_87, %mul3A_89 : vector<16xi32>
    %add3A_91 = arith.addi %mul3A_90, %get3A_82 : vector<16xi32>
    %swap3A_92 = arith.constant 80 : index
    %swap3A_93 = tpu.vector_load %arg6[%swap3A_92] {strides = array<i32>} : memref<128xi32, #tpu.memory_space<vmem>>, vector<16xi32>,
    %swap3A_94 = vector.shape_cast %swap3A_93 : vector<16xi32> to vector<16xi32>
    %swap3A_95 = vector.shape_cast %add3A_91 : vector<16xi32> to vector<16xi32>
    tpu.vector_store %arg6[%swap3A_92], %swap3A_95 {strides = array<i32>} : memref<128xi32, #tpu.memory_space<vmem>>, vector<16xi32>,
    %get3A_96 = arith.constant 96 : index
    %get3A_97 = tpu.vector_load %arg5[%get3A_96] {strides = array<i32>} : memref<128xi32, #tpu.memory_space<vmem>>, vector<16xi32>,
    %get3A_98 = vector.shape_cast %get3A_97 : vector<16xi32> to vector<16xi32>
    %add3A_99 = arith.constant 96 : i32
    %add3A_100 = arith.addi %mul3A_2, %add3A_99 : i32
    %iota3A_101 = tpu.iota {dimensions = array<i32: 0>} : vector<16xi32>
    %add3A_102 = vector.broadcast %add3A_100 : i32 to vector<16xi32>
    %add3A_103 = arith.addi %add3A_102, %iota3A_101 : vector<16xi32>
    %mul3A_104 = arith.constant 32000 : i32
    %mul3A_105 = vector.broadcast %mul3A_104 : i32 to vector<16xi32>
    %mul3A_106 = arith.muli %add3A_103, %mul3A_105 : vector<16xi32>
    %add3A_107 = arith.addi %mul3A_106, %get3A_98 : vector<16xi32>
    %swap3A_108 = arith.constant 96 : index
    %swap3A_109 = tpu.vector_load %arg6[%swap3A_108] {strides = array<i32>} : memref<128xi32, #tpu.memory_space<vmem>>, vector<16xi32>,
    %swap3A_110 = vector.shape_cast %swap3A_109 : vector<16xi32> to vector<16xi32>
    %swap3A_111 = vector.shape_cast %add3A_107 : vector<16xi32> to vector<16xi32>
    tpu.vector_store %arg6[%swap3A_108], %swap3A_111 {strides = array<i32>} : memref<128xi32, #tpu.memory_space<vmem>>, vector<16xi32>,
    %get3A_112 = arith.constant 112 : index
    %get3A_113 = tpu.vector_load %arg5[%get3A_112] {strides = array<i32>} : memref<128xi32, #tpu.memory_space<vmem>>, vector<16xi32>,
    %get3A_114 = vector.shape_cast %get3A_113 : vector<16xi32> to vector<16xi32>
    %add3A_115 = arith.constant 112 : i32
    %add3A_116 = arith.addi %mul3A_2, %add3A_115 : i32
    %iota3A_117 = tpu.iota {dimensions = array<i32: 0>} : vector<16xi32>
    %add3A_118 = vector.broadcast %add3A_116 : i32 to vector<16xi32>
    %add3A_119 = arith.addi %add3A_118, %iota3A_117 : vector<16xi32>
    %mul3A_120 = arith.constant 32000 : i32
    %mul3A_121 = vector.broadcast %mul3A_120 : i32 to vector<16xi32>
    %mul3A_122 = arith.muli %add3A_119, %mul3A_121 : vector<16xi32>
    %add3A_123 = arith.addi %mul3A_122, %get3A_114 : vector<16xi32>
    %swap3A_124 = arith.constant 112 : index
    %swap3A_125 = tpu.vector_load %arg6[%swap3A_124] {strides = array<i32>} : memref<128xi32, #tpu.memory_space<vmem>>, vector<16xi32>,
    %swap3A_126 = vector.shape_cast %swap3A_125 : vector<16xi32> to vector<16xi32>
    %swap3A_127 = vector.shape_cast %add3A_123 : vector<16xi32> to vector<16xi32>
    tpu.vector_store %arg6[%swap3A_124], %swap3A_127 {strides = array<i32>} : memref<128xi32, #tpu.memory_space<vmem>>, vector<16xi32>,
    %dma_start3A = arith.constant 0 : i32
    %dma_start3A_128 = tpu.memref_slice %arg2[%dma_start3A] : memref<131072000xf32, #tpu.memory_space<hbm>> -> memref<131072000xf32, #tpu.memory_space<hbm>>
    tpu.enqueue_indirect_dma source(%dma_start3A_128 : memref<131072000xf32, #tpu.memory_space<hbm>>) target(%arg7 : memref<128xf32, #tpu.memory_space<vmem>>) offsets(%arg6 : memref<128xi32, #tpu.memory_space<vmem>>) semaphore(%arg9 : memref<!tpu.dma_semaphore, #tpu.memory_space<semaphore_mem>>)
    %dma_wait3A = arith.constant 0 : i32
    %dma_wait3A_129 = tpu.memref_slice %arg2[%dma_wait3A] : memref<131072000xf32, #tpu.memory_space<hbm>> -> memref<131072000xf32, #tpu.memory_space<hbm>>
    tpu.wait_indirect_dma semaphore(%arg9 : memref<!tpu.dma_semaphore, #tpu.memory_space<semaphore_mem>>) src(%dma_wait3A_129 : memref<131072000xf32, #tpu.memory_space<hbm>>) dst(%arg7 : memref<128xf32, #tpu.memory_space<vmem>>)
    %get3A_130 = arith.constant 0 : index
    %get3A_131 = tpu.vector_load %arg7[%get3A_130] {strides = array<i32>} : memref<128xf32, #tpu.memory_space<vmem>>, vector<16xf32>,
    %get3A_132 = vector.shape_cast %get3A_131 : vector<16xf32> to vector<16xf32>
    %get3A_133 = arith.constant 16 : index
    %get3A_134 = tpu.vector_load %arg7[%get3A_133] {strides = array<i32>} : memref<128xf32, #tpu.memory_space<vmem>>, vector<16xf32>,
    %get3A_135 = vector.shape_cast %get3A_134 : vector<16xf32> to vector<16xf32>
    %add3A_136 = arith.addf %get3A_132, %get3A_135 : vector<16xf32>
    %get3A_137 = arith.constant 32 : index
    %get3A_138 = tpu.vector_load %arg7[%get3A_137] {strides = array<i32>} : memref<128xf32, #tpu.memory_space<vmem>>, vector<16xf32>,
    %get3A_139 = vector.shape_cast %get3A_138 : vector<16xf32> to vector<16xf32>
    %add3A_140 = arith.addf %add3A_136, %get3A_139 : vector<16xf32>
    %get3A_141 = arith.constant 48 : index
    %get3A_142 = tpu.vector_load %arg7[%get3A_141] {strides = array<i32>} : memref<128xf32, #tpu.memory_space<vmem>>, vector<16xf32>,
    %get3A_143 = vector.shape_cast %get3A_142 : vector<16xf32> to vector<16xf32>
    %add3A_144 = arith.addf %add3A_140, %get3A_143 : vector<16xf32>
    %get3A_145 = arith.constant 64 : index
    %get3A_146 = tpu.vector_load %arg7[%get3A_145] {strides = array<i32>} : memref<128xf32, #tpu.memory_space<vmem>>, vector<16xf32>,
    %get3A_147 = vector.shape_cast %get3A_146 : vector<16xf32> to vector<16xf32>
    %add3A_148 = arith.addf %add3A_144, %get3A_147 : vector<16xf32>
    %get3A_149 = arith.constant 80 : index
    %get3A_150 = tpu.vector_load %arg7[%get3A_149] {strides = array<i32>} : memref<128xf32, #tpu.memory_space<vmem>>, vector<16xf32>,
    %get3A_151 = vector.shape_cast %get3A_150 : vector<16xf32> to vector<16xf32>
    %add3A_152 = arith.addf %add3A_148, %get3A_151 : vector<16xf32>
    %get3A_153 = arith.constant 96 : index
    %get3A_154 = tpu.vector_load %arg7[%get3A_153] {strides = array<i32>} : memref<128xf32, #tpu.memory_space<vmem>>, vector<16xf32>,
    %get3A_155 = vector.shape_cast %get3A_154 : vector<16xf32> to vector<16xf32>
    %add3A_156 = arith.addf %add3A_152, %get3A_155 : vector<16xf32>
    %get3A_157 = arith.constant 112 : index
    %get3A_158 = tpu.vector_load %arg7[%get3A_157] {strides = array<i32>} : memref<128xf32, #tpu.memory_space<vmem>>, vector<16xf32>,
    %get3A_159 = vector.shape_cast %get3A_158 : vector<16xf32> to vector<16xf32>
    %add3A_160 = arith.addf %add3A_156, %get3A_159 : vector<16xf32>
    %swap3A_161 = arith.constant 0 : index
    %swap3A_162 = tpu.vector_load %arg8[%swap3A_161] {strides = array<i32>} : memref<16xf32, #tpu.memory_space<vmem>>, vector<16xf32>,
    %swap3A_163 = vector.shape_cast %swap3A_162 : vector<16xf32> to vector<16xf32>
    %swap3A_164 = vector.shape_cast %add3A_160 : vector<16xf32> to vector<16xf32>
    tpu.vector_store %arg8[%swap3A_161], %swap3A_164 {strides = array<i32>} : memref<16xf32, #tpu.memory_space<vmem>>, vector<16xf32>,
    %mul3A_165 = arith.constant 16 : i32
    %mul3A_166 = arith.muli %add3A, %mul3A_165 : i32
    "tpu.region"() ({
      %run_scoped3A = tpu.sem_alloc : memref<!tpu.dma_semaphore, #tpu.memory_space<semaphore_mem>>
      %dma_start3A_167 = tpu.memref_slice %arg4[%mul3A_166] : memref<512xf32, #tpu.memory_space<hbm>> -> memref<16xf32, #tpu.memory_space<hbm>>
      %dma_start3A_168 = tpu.memref_slice %arg4[%mul3A_166] : memref<512xf32, #tpu.memory_space<hbm>> -> memref<16xf32, #tpu.memory_space<hbm>>
      tpu.enqueue_dma source(%arg8 : memref<16xf32, #tpu.memory_space<vmem>>) target(%dma_start3A_168 : memref<16xf32, #tpu.memory_space<hbm>>) target_semaphore(%run_scoped3A : memref<!tpu.dma_semaphore, #tpu.memory_space<semaphore_mem>>)
      %dma_wait3A_169 = tpu.memref_slice %arg4[%mul3A_166] : memref<512xf32, #tpu.memory_space<hbm>> -> memref<16xf32, #tpu.memory_space<hbm>>
      %dma_wait3A_170 = tpu.memref_slice %arg4[%mul3A_166] : memref<512xf32, #tpu.memory_space<hbm>> -> memref<16xf32, #tpu.memory_space<hbm>>
      tpu.wait_dma2 semaphore(%run_scoped3A : memref<!tpu.dma_semaphore, #tpu.memory_space<semaphore_mem>>) src(%arg8 : memref<16xf32, #tpu.memory_space<vmem>>) dst(%dma_wait3A_170 : memref<16xf32, #tpu.memory_space<hbm>>)
      tpu.yield
    }) : () -> ()
    return
  }
}

module attributes {stable_mosaic.version = 14 : i64} {
  func.func @_tc_body(%arg0: i32, %arg1: memref<64x32000xf32, #tpu.memory_space<vmem>>, %arg2: memref<64x32000xf32, #tpu.memory_space<vmem>>, %arg3: memref<4x128xf32, #tpu.memory_space<vmem>>, %arg4: memref<1x1xf32, #tpu.memory_space<smem>>, %arg5: memref<1xf32, #tpu.memory_space<smem>>) attributes {dimension_semantics = [#tpu.dimension_semantics<arbitrary>], iteration_bounds = array<i64: 32>, scalar_prefetch = 0 : i64, scratch_operands = 1 : i64, tpu.core_type = #tpu.core_type<tc>, window_params = [{transform_indices = @transform_0, window_bounds = array<i64: 64, 32000>}, {transform_indices = @transform_1, window_bounds = array<i64: 64, 32000>}, {pipeline_mode = #tpu.pipeline_mode<synchronous>, transform_indices = @transform_2, window_bounds = array<i64: 4, 128>}, {transform_indices = @transform_3, window_bounds = array<i64: 1, 1>}]} {
    %broadcast_in_dim3A = arith.constant 0.000000e+00 : f32
    %broadcast_in_dim3A_0 = vector.broadcast %broadcast_in_dim3A : f32 to vector<64x256xf32>
    %broadcast_in_dim3A_1 = arith.constant 0.000000e+00 : f32
    %broadcast_in_dim3A_2 = vector.broadcast %broadcast_in_dim3A_1 : f32 to vector<64x256xf32>
    %get3A = arith.constant 0 : index
    %get3A_3 = arith.constant 0 : index
    %get3A_4 = vector.load %arg1[%get3A, %get3A_3] : memref<64x32000xf32, #tpu.memory_space<vmem>>, vector<64x256xf32>
    %add3A = arith.addf %broadcast_in_dim3A_0, %get3A_4 : vector<64x256xf32>
    %exp3A = math.exp %get3A_4 : vector<64x256xf32>
    %add3A_5 = arith.addf %broadcast_in_dim3A_2, %exp3A : vector<64x256xf32>
    %get3A_6 = arith.constant 0 : index
    %get3A_7 = arith.constant 256 : index
    %get3A_8 = vector.load %arg1[%get3A_6, %get3A_7] : memref<64x32000xf32, #tpu.memory_space<vmem>>, vector<64x256xf32>
    %add3A_9 = arith.addf %add3A, %get3A_8 : vector<64x256xf32>
    %exp3A_10 = math.exp %get3A_8 : vector<64x256xf32>
    %add3A_11 = arith.addf %add3A_5, %exp3A_10 : vector<64x256xf32>
    %get3A_12 = arith.constant 0 : index
    %get3A_13 = arith.constant 512 : index
    %get3A_14 = vector.load %arg1[%get3A_12, %get3A_13] : memref<64x32000xf32, #tpu.memory_space<vmem>>, vector<64x256xf32>
    %add3A_15 = arith.addf %add3A_9, %get3A_14 : vector<64x256xf32>
    %exp3A_16 = math.exp %get3A_14 : vector<64x256xf32>
    %add3A_17 = arith.addf %add3A_11, %exp3A_16 : vector<64x256xf32>
    %get3A_18 = arith.constant 0 : index
    %get3A_19 = arith.constant 768 : index
    %get3A_20 = vector.load %arg1[%get3A_18, %get3A_19] : memref<64x32000xf32, #tpu.memory_space<vmem>>, vector<64x256xf32>
    %add3A_21 = arith.addf %add3A_15, %get3A_20 : vector<64x256xf32>
    %exp3A_22 = math.exp %get3A_20 : vector<64x256xf32>
    %add3A_23 = arith.addf %add3A_17, %exp3A_22 : vector<64x256xf32>
    %get3A_24 = arith.constant 0 : index
    %get3A_25 = arith.constant 1024 : index
    %get3A_26 = vector.load %arg1[%get3A_24, %get3A_25] : memref<64x32000xf32, #tpu.memory_space<vmem>>, vector<64x256xf32>
    %add3A_27 = arith.addf %add3A_21, %get3A_26 : vector<64x256xf32>
    %exp3A_28 = math.exp %get3A_26 : vector<64x256xf32>
    %add3A_29 = arith.addf %add3A_23, %exp3A_28 : vector<64x256xf32>
    %get3A_30 = arith.constant 0 : index
    %get3A_31 = arith.constant 1280 : index
    %get3A_32 = vector.load %arg1[%get3A_30, %get3A_31] : memref<64x32000xf32, #tpu.memory_space<vmem>>, vector<64x256xf32>
    %add3A_33 = arith.addf %add3A_27, %get3A_32 : vector<64x256xf32>
    %exp3A_34 = math.exp %get3A_32 : vector<64x256xf32>
    %add3A_35 = arith.addf %add3A_29, %exp3A_34 : vector<64x256xf32>
    %get3A_36 = arith.constant 0 : index
    %get3A_37 = arith.constant 1536 : index
    %get3A_38 = vector.load %arg1[%get3A_36, %get3A_37] : memref<64x32000xf32, #tpu.memory_space<vmem>>, vector<64x256xf32>
    %add3A_39 = arith.addf %add3A_33, %get3A_38 : vector<64x256xf32>
    %exp3A_40 = math.exp %get3A_38 : vector<64x256xf32>
    %add3A_41 = arith.addf %add3A_35, %exp3A_40 : vector<64x256xf32>
    %get3A_42 = arith.constant 0 : index
    %get3A_43 = arith.constant 1792 : index
    %get3A_44 = vector.load %arg1[%get3A_42, %get3A_43] : memref<64x32000xf32, #tpu.memory_space<vmem>>, vector<64x256xf32>
    %add3A_45 = arith.addf %add3A_39, %get3A_44 : vector<64x256xf32>
    %exp3A_46 = math.exp %get3A_44 : vector<64x256xf32>
    %add3A_47 = arith.addf %add3A_41, %exp3A_46 : vector<64x256xf32>
    %get3A_48 = arith.constant 0 : index
    %get3A_49 = arith.constant 2048 : index
    %get3A_50 = vector.load %arg1[%get3A_48, %get3A_49] : memref<64x32000xf32, #tpu.memory_space<vmem>>, vector<64x256xf32>
    %add3A_51 = arith.addf %add3A_45, %get3A_50 : vector<64x256xf32>
    %exp3A_52 = math.exp %get3A_50 : vector<64x256xf32>
    %add3A_53 = arith.addf %add3A_47, %exp3A_52 : vector<64x256xf32>
    %get3A_54 = arith.constant 0 : index
    %get3A_55 = arith.constant 2304 : index
    %get3A_56 = vector.load %arg1[%get3A_54, %get3A_55] : memref<64x32000xf32, #tpu.memory_space<vmem>>, vector<64x256xf32>
    %add3A_57 = arith.addf %add3A_51, %get3A_56 : vector<64x256xf32>
    %exp3A_58 = math.exp %get3A_56 : vector<64x256xf32>
    %add3A_59 = arith.addf %add3A_53, %exp3A_58 : vector<64x256xf32>
    %get3A_60 = arith.constant 0 : index
    %get3A_61 = arith.constant 2560 : index
    %get3A_62 = vector.load %arg1[%get3A_60, %get3A_61] : memref<64x32000xf32, #tpu.memory_space<vmem>>, vector<64x256xf32>
    %add3A_63 = arith.addf %add3A_57, %get3A_62 : vector<64x256xf32>
    %exp3A_64 = math.exp %get3A_62 : vector<64x256xf32>
    %add3A_65 = arith.addf %add3A_59, %exp3A_64 : vector<64x256xf32>
    %get3A_66 = arith.constant 0 : index
    %get3A_67 = arith.constant 2816 : index
    %get3A_68 = vector.load %arg1[%get3A_66, %get3A_67] : memref<64x32000xf32, #tpu.memory_space<vmem>>, vector<64x256xf32>
    %add3A_69 = arith.addf %add3A_63, %get3A_68 : vector<64x256xf32>
    %exp3A_70 = math.exp %get3A_68 : vector<64x256xf32>
    %add3A_71 = arith.addf %add3A_65, %exp3A_70 : vector<64x256xf32>
    %get3A_72 = arith.constant 0 : index
    %get3A_73 = arith.constant 3072 : index
    %get3A_74 = vector.load %arg1[%get3A_72, %get3A_73] : memref<64x32000xf32, #tpu.memory_space<vmem>>, vector<64x256xf32>
    %add3A_75 = arith.addf %add3A_69, %get3A_74 : vector<64x256xf32>
    %exp3A_76 = math.exp %get3A_74 : vector<64x256xf32>
    %add3A_77 = arith.addf %add3A_71, %exp3A_76 : vector<64x256xf32>
    %get3A_78 = arith.constant 0 : index
    %get3A_79 = arith.constant 3328 : index
    %get3A_80 = vector.load %arg1[%get3A_78, %get3A_79] : memref<64x32000xf32, #tpu.memory_space<vmem>>, vector<64x256xf32>
    %add3A_81 = arith.addf %add3A_75, %get3A_80 : vector<64x256xf32>
    %exp3A_82 = math.exp %get3A_80 : vector<64x256xf32>
    %add3A_83 = arith.addf %add3A_77, %exp3A_82 : vector<64x256xf32>
    %get3A_84 = arith.constant 0 : index
    %get3A_85 = arith.constant 3584 : index
    %get3A_86 = vector.load %arg1[%get3A_84, %get3A_85] : memref<64x32000xf32, #tpu.memory_space<vmem>>, vector<64x256xf32>
    %add3A_87 = arith.addf %add3A_81, %get3A_86 : vector<64x256xf32>
    %exp3A_88 = math.exp %get3A_86 : vector<64x256xf32>
    %add3A_89 = arith.addf %add3A_83, %exp3A_88 : vector<64x256xf32>
    %get3A_90 = arith.constant 0 : index
    %get3A_91 = arith.constant 3840 : index
    %get3A_92 = vector.load %arg1[%get3A_90, %get3A_91] : memref<64x32000xf32, #tpu.memory_space<vmem>>, vector<64x256xf32>
    %add3A_93 = arith.addf %add3A_87, %get3A_92 : vector<64x256xf32>
    %exp3A_94 = math.exp %get3A_92 : vector<64x256xf32>
    %add3A_95 = arith.addf %add3A_89, %exp3A_94 : vector<64x256xf32>
    %get3A_96 = arith.constant 0 : index
    %get3A_97 = arith.constant 4096 : index
    %get3A_98 = vector.load %arg1[%get3A_96, %get3A_97] : memref<64x32000xf32, #tpu.memory_space<vmem>>, vector<64x256xf32>
    %add3A_99 = arith.addf %add3A_93, %get3A_98 : vector<64x256xf32>
    %exp3A_100 = math.exp %get3A_98 : vector<64x256xf32>
    %add3A_101 = arith.addf %add3A_95, %exp3A_100 : vector<64x256xf32>
    %get3A_102 = arith.constant 0 : index
    %get3A_103 = arith.constant 4352 : index
    %get3A_104 = vector.load %arg1[%get3A_102, %get3A_103] : memref<64x32000xf32, #tpu.memory_space<vmem>>, vector<64x256xf32>
    %add3A_105 = arith.addf %add3A_99, %get3A_104 : vector<64x256xf32>
    %exp3A_106 = math.exp %get3A_104 : vector<64x256xf32>
    %add3A_107 = arith.addf %add3A_101, %exp3A_106 : vector<64x256xf32>
    %get3A_108 = arith.constant 0 : index
    %get3A_109 = arith.constant 4608 : index
    %get3A_110 = vector.load %arg1[%get3A_108, %get3A_109] : memref<64x32000xf32, #tpu.memory_space<vmem>>, vector<64x256xf32>
    %add3A_111 = arith.addf %add3A_105, %get3A_110 : vector<64x256xf32>
    %exp3A_112 = math.exp %get3A_110 : vector<64x256xf32>
    %add3A_113 = arith.addf %add3A_107, %exp3A_112 : vector<64x256xf32>
    %get3A_114 = arith.constant 0 : index
    %get3A_115 = arith.constant 4864 : index
    %get3A_116 = vector.load %arg1[%get3A_114, %get3A_115] : memref<64x32000xf32, #tpu.memory_space<vmem>>, vector<64x256xf32>
    %add3A_117 = arith.addf %add3A_111, %get3A_116 : vector<64x256xf32>
    %exp3A_118 = math.exp %get3A_116 : vector<64x256xf32>
    %add3A_119 = arith.addf %add3A_113, %exp3A_118 : vector<64x256xf32>
    %get3A_120 = arith.constant 0 : index
    %get3A_121 = arith.constant 5120 : index
    %get3A_122 = vector.load %arg1[%get3A_120, %get3A_121] : memref<64x32000xf32, #tpu.memory_space<vmem>>, vector<64x256xf32>
    %add3A_123 = arith.addf %add3A_117, %get3A_122 : vector<64x256xf32>
    %exp3A_124 = math.exp %get3A_122 : vector<64x256xf32>
    %add3A_125 = arith.addf %add3A_119, %exp3A_124 : vector<64x256xf32>
    %get3A_126 = arith.constant 0 : index
    %get3A_127 = arith.constant 5376 : index
    %get3A_128 = vector.load %arg1[%get3A_126, %get3A_127] : memref<64x32000xf32, #tpu.memory_space<vmem>>, vector<64x256xf32>
    %add3A_129 = arith.addf %add3A_123, %get3A_128 : vector<64x256xf32>
    %exp3A_130 = math.exp %get3A_128 : vector<64x256xf32>
    %add3A_131 = arith.addf %add3A_125, %exp3A_130 : vector<64x256xf32>
    %get3A_132 = arith.constant 0 : index
    %get3A_133 = arith.constant 5632 : index
    %get3A_134 = vector.load %arg1[%get3A_132, %get3A_133] : memref<64x32000xf32, #tpu.memory_space<vmem>>, vector<64x256xf32>
    %add3A_135 = arith.addf %add3A_129, %get3A_134 : vector<64x256xf32>
    %exp3A_136 = math.exp %get3A_134 : vector<64x256xf32>
    %add3A_137 = arith.addf %add3A_131, %exp3A_136 : vector<64x256xf32>
    %get3A_138 = arith.constant 0 : index
    %get3A_139 = arith.constant 5888 : index
    %get3A_140 = vector.load %arg1[%get3A_138, %get3A_139] : memref<64x32000xf32, #tpu.memory_space<vmem>>, vector<64x256xf32>
    %add3A_141 = arith.addf %add3A_135, %get3A_140 : vector<64x256xf32>
    %exp3A_142 = math.exp %get3A_140 : vector<64x256xf32>
    %add3A_143 = arith.addf %add3A_137, %exp3A_142 : vector<64x256xf32>
    %get3A_144 = arith.constant 0 : index
    %get3A_145 = arith.constant 6144 : index
    %get3A_146 = vector.load %arg1[%get3A_144, %get3A_145] : memref<64x32000xf32, #tpu.memory_space<vmem>>, vector<64x256xf32>
    %add3A_147 = arith.addf %add3A_141, %get3A_146 : vector<64x256xf32>
    %exp3A_148 = math.exp %get3A_146 : vector<64x256xf32>
    %add3A_149 = arith.addf %add3A_143, %exp3A_148 : vector<64x256xf32>
    %get3A_150 = arith.constant 0 : index
    %get3A_151 = arith.constant 6400 : index
    %get3A_152 = vector.load %arg1[%get3A_150, %get3A_151] : memref<64x32000xf32, #tpu.memory_space<vmem>>, vector<64x256xf32>
    %add3A_153 = arith.addf %add3A_147, %get3A_152 : vector<64x256xf32>
    %exp3A_154 = math.exp %get3A_152 : vector<64x256xf32>
    %add3A_155 = arith.addf %add3A_149, %exp3A_154 : vector<64x256xf32>
    %get3A_156 = arith.constant 0 : index
    %get3A_157 = arith.constant 6656 : index
    %get3A_158 = vector.load %arg1[%get3A_156, %get3A_157] : memref<64x32000xf32, #tpu.memory_space<vmem>>, vector<64x256xf32>
    %add3A_159 = arith.addf %add3A_153, %get3A_158 : vector<64x256xf32>
    %exp3A_160 = math.exp %get3A_158 : vector<64x256xf32>
    %add3A_161 = arith.addf %add3A_155, %exp3A_160 : vector<64x256xf32>
    %get3A_162 = arith.constant 0 : index
    %get3A_163 = arith.constant 6912 : index
    %get3A_164 = vector.load %arg1[%get3A_162, %get3A_163] : memref<64x32000xf32, #tpu.memory_space<vmem>>, vector<64x256xf32>
    %add3A_165 = arith.addf %add3A_159, %get3A_164 : vector<64x256xf32>
    %exp3A_166 = math.exp %get3A_164 : vector<64x256xf32>
    %add3A_167 = arith.addf %add3A_161, %exp3A_166 : vector<64x256xf32>
    %get3A_168 = arith.constant 0 : index
    %get3A_169 = arith.constant 7168 : index
    %get3A_170 = vector.load %arg1[%get3A_168, %get3A_169] : memref<64x32000xf32, #tpu.memory_space<vmem>>, vector<64x256xf32>
    %add3A_171 = arith.addf %add3A_165, %get3A_170 : vector<64x256xf32>
    %exp3A_172 = math.exp %get3A_170 : vector<64x256xf32>
    %add3A_173 = arith.addf %add3A_167, %exp3A_172 : vector<64x256xf32>
    %get3A_174 = arith.constant 0 : index
    %get3A_175 = arith.constant 7424 : index
    %get3A_176 = vector.load %arg1[%get3A_174, %get3A_175] : memref<64x32000xf32, #tpu.memory_space<vmem>>, vector<64x256xf32>
    %add3A_177 = arith.addf %add3A_171, %get3A_176 : vector<64x256xf32>
    %exp3A_178 = math.exp %get3A_176 : vector<64x256xf32>
    %add3A_179 = arith.addf %add3A_173, %exp3A_178 : vector<64x256xf32>
    %get3A_180 = arith.constant 0 : index
    %get3A_181 = arith.constant 7680 : index
    %get3A_182 = vector.load %arg1[%get3A_180, %get3A_181] : memref<64x32000xf32, #tpu.memory_space<vmem>>, vector<64x256xf32>
    %add3A_183 = arith.addf %add3A_177, %get3A_182 : vector<64x256xf32>
    %exp3A_184 = math.exp %get3A_182 : vector<64x256xf32>
    %add3A_185 = arith.addf %add3A_179, %exp3A_184 : vector<64x256xf32>
    %get3A_186 = arith.constant 0 : index
    %get3A_187 = arith.constant 7936 : index
    %get3A_188 = vector.load %arg1[%get3A_186, %get3A_187] : memref<64x32000xf32, #tpu.memory_space<vmem>>, vector<64x256xf32>
    %add3A_189 = arith.addf %add3A_183, %get3A_188 : vector<64x256xf32>
    %exp3A_190 = math.exp %get3A_188 : vector<64x256xf32>
    %add3A_191 = arith.addf %add3A_185, %exp3A_190 : vector<64x256xf32>
    %get3A_192 = arith.constant 0 : index
    %get3A_193 = arith.constant 8192 : index
    %get3A_194 = vector.load %arg1[%get3A_192, %get3A_193] : memref<64x32000xf32, #tpu.memory_space<vmem>>, vector<64x256xf32>
    %add3A_195 = arith.addf %add3A_189, %get3A_194 : vector<64x256xf32>
    %exp3A_196 = math.exp %get3A_194 : vector<64x256xf32>
    %add3A_197 = arith.addf %add3A_191, %exp3A_196 : vector<64x256xf32>
    %get3A_198 = arith.constant 0 : index
    %get3A_199 = arith.constant 8448 : index
    %get3A_200 = vector.load %arg1[%get3A_198, %get3A_199] : memref<64x32000xf32, #tpu.memory_space<vmem>>, vector<64x256xf32>
    %add3A_201 = arith.addf %add3A_195, %get3A_200 : vector<64x256xf32>
    %exp3A_202 = math.exp %get3A_200 : vector<64x256xf32>
    %add3A_203 = arith.addf %add3A_197, %exp3A_202 : vector<64x256xf32>
    %get3A_204 = arith.constant 0 : index
    %get3A_205 = arith.constant 8704 : index
    %get3A_206 = vector.load %arg1[%get3A_204, %get3A_205] : memref<64x32000xf32, #tpu.memory_space<vmem>>, vector<64x256xf32>
    %add3A_207 = arith.addf %add3A_201, %get3A_206 : vector<64x256xf32>
    %exp3A_208 = math.exp %get3A_206 : vector<64x256xf32>
    %add3A_209 = arith.addf %add3A_203, %exp3A_208 : vector<64x256xf32>
    %get3A_210 = arith.constant 0 : index
    %get3A_211 = arith.constant 8960 : index
    %get3A_212 = vector.load %arg1[%get3A_210, %get3A_211] : memref<64x32000xf32, #tpu.memory_space<vmem>>, vector<64x256xf32>
    %add3A_213 = arith.addf %add3A_207, %get3A_212 : vector<64x256xf32>
    %exp3A_214 = math.exp %get3A_212 : vector<64x256xf32>
    %add3A_215 = arith.addf %add3A_209, %exp3A_214 : vector<64x256xf32>
    %get3A_216 = arith.constant 0 : index
    %get3A_217 = arith.constant 9216 : index
    %get3A_218 = vector.load %arg1[%get3A_216, %get3A_217] : memref<64x32000xf32, #tpu.memory_space<vmem>>, vector<64x256xf32>
    %add3A_219 = arith.addf %add3A_213, %get3A_218 : vector<64x256xf32>
    %exp3A_220 = math.exp %get3A_218 : vector<64x256xf32>
    %add3A_221 = arith.addf %add3A_215, %exp3A_220 : vector<64x256xf32>
    %get3A_222 = arith.constant 0 : index
    %get3A_223 = arith.constant 9472 : index
    %get3A_224 = vector.load %arg1[%get3A_222, %get3A_223] : memref<64x32000xf32, #tpu.memory_space<vmem>>, vector<64x256xf32>
    %add3A_225 = arith.addf %add3A_219, %get3A_224 : vector<64x256xf32>
    %exp3A_226 = math.exp %get3A_224 : vector<64x256xf32>
    %add3A_227 = arith.addf %add3A_221, %exp3A_226 : vector<64x256xf32>
    %get3A_228 = arith.constant 0 : index
    %get3A_229 = arith.constant 9728 : index
    %get3A_230 = vector.load %arg1[%get3A_228, %get3A_229] : memref<64x32000xf32, #tpu.memory_space<vmem>>, vector<64x256xf32>
    %add3A_231 = arith.addf %add3A_225, %get3A_230 : vector<64x256xf32>
    %exp3A_232 = math.exp %get3A_230 : vector<64x256xf32>
    %add3A_233 = arith.addf %add3A_227, %exp3A_232 : vector<64x256xf32>
    %get3A_234 = arith.constant 0 : index
    %get3A_235 = arith.constant 9984 : index
    %get3A_236 = vector.load %arg1[%get3A_234, %get3A_235] : memref<64x32000xf32, #tpu.memory_space<vmem>>, vector<64x256xf32>
    %add3A_237 = arith.addf %add3A_231, %get3A_236 : vector<64x256xf32>
    %exp3A_238 = math.exp %get3A_236 : vector<64x256xf32>
    %add3A_239 = arith.addf %add3A_233, %exp3A_238 : vector<64x256xf32>
    %get3A_240 = arith.constant 0 : index
    %get3A_241 = arith.constant 10240 : index
    %get3A_242 = vector.load %arg1[%get3A_240, %get3A_241] : memref<64x32000xf32, #tpu.memory_space<vmem>>, vector<64x256xf32>
    %add3A_243 = arith.addf %add3A_237, %get3A_242 : vector<64x256xf32>
    %exp3A_244 = math.exp %get3A_242 : vector<64x256xf32>
    %add3A_245 = arith.addf %add3A_239, %exp3A_244 : vector<64x256xf32>
    %get3A_246 = arith.constant 0 : index
    %get3A_247 = arith.constant 10496 : index
    %get3A_248 = vector.load %arg1[%get3A_246, %get3A_247] : memref<64x32000xf32, #tpu.memory_space<vmem>>, vector<64x256xf32>
    %add3A_249 = arith.addf %add3A_243, %get3A_248 : vector<64x256xf32>
    %exp3A_250 = math.exp %get3A_248 : vector<64x256xf32>
    %add3A_251 = arith.addf %add3A_245, %exp3A_250 : vector<64x256xf32>
    %get3A_252 = arith.constant 0 : index
    %get3A_253 = arith.constant 10752 : index
    %get3A_254 = vector.load %arg1[%get3A_252, %get3A_253] : memref<64x32000xf32, #tpu.memory_space<vmem>>, vector<64x256xf32>
    %add3A_255 = arith.addf %add3A_249, %get3A_254 : vector<64x256xf32>
    %exp3A_256 = math.exp %get3A_254 : vector<64x256xf32>
    %add3A_257 = arith.addf %add3A_251, %exp3A_256 : vector<64x256xf32>
    %get3A_258 = arith.constant 0 : index
    %get3A_259 = arith.constant 11008 : index
    %get3A_260 = vector.load %arg1[%get3A_258, %get3A_259] : memref<64x32000xf32, #tpu.memory_space<vmem>>, vector<64x256xf32>
    %add3A_261 = arith.addf %add3A_255, %get3A_260 : vector<64x256xf32>
    %exp3A_262 = math.exp %get3A_260 : vector<64x256xf32>
    %add3A_263 = arith.addf %add3A_257, %exp3A_262 : vector<64x256xf32>
    %get3A_264 = arith.constant 0 : index
    %get3A_265 = arith.constant 11264 : index
    %get3A_266 = vector.load %arg1[%get3A_264, %get3A_265] : memref<64x32000xf32, #tpu.memory_space<vmem>>, vector<64x256xf32>
    %add3A_267 = arith.addf %add3A_261, %get3A_266 : vector<64x256xf32>
    %exp3A_268 = math.exp %get3A_266 : vector<64x256xf32>
    %add3A_269 = arith.addf %add3A_263, %exp3A_268 : vector<64x256xf32>
    %get3A_270 = arith.constant 0 : index
    %get3A_271 = arith.constant 11520 : index
    %get3A_272 = vector.load %arg1[%get3A_270, %get3A_271] : memref<64x32000xf32, #tpu.memory_space<vmem>>, vector<64x256xf32>
    %add3A_273 = arith.addf %add3A_267, %get3A_272 : vector<64x256xf32>
    %exp3A_274 = math.exp %get3A_272 : vector<64x256xf32>
    %add3A_275 = arith.addf %add3A_269, %exp3A_274 : vector<64x256xf32>
    %get3A_276 = arith.constant 0 : index
    %get3A_277 = arith.constant 11776 : index
    %get3A_278 = vector.load %arg1[%get3A_276, %get3A_277] : memref<64x32000xf32, #tpu.memory_space<vmem>>, vector<64x256xf32>
    %add3A_279 = arith.addf %add3A_273, %get3A_278 : vector<64x256xf32>
    %exp3A_280 = math.exp %get3A_278 : vector<64x256xf32>
    %add3A_281 = arith.addf %add3A_275, %exp3A_280 : vector<64x256xf32>
    %get3A_282 = arith.constant 0 : index
    %get3A_283 = arith.constant 12032 : index
    %get3A_284 = vector.load %arg1[%get3A_282, %get3A_283] : memref<64x32000xf32, #tpu.memory_space<vmem>>, vector<64x256xf32>
    %add3A_285 = arith.addf %add3A_279, %get3A_284 : vector<64x256xf32>
    %exp3A_286 = math.exp %get3A_284 : vector<64x256xf32>
    %add3A_287 = arith.addf %add3A_281, %exp3A_286 : vector<64x256xf32>
    %get3A_288 = arith.constant 0 : index
    %get3A_289 = arith.constant 12288 : index
    %get3A_290 = vector.load %arg1[%get3A_288, %get3A_289] : memref<64x32000xf32, #tpu.memory_space<vmem>>, vector<64x256xf32>
    %add3A_291 = arith.addf %add3A_285, %get3A_290 : vector<64x256xf32>
    %exp3A_292 = math.exp %get3A_290 : vector<64x256xf32>
    %add3A_293 = arith.addf %add3A_287, %exp3A_292 : vector<64x256xf32>
    %get3A_294 = arith.constant 0 : index
    %get3A_295 = arith.constant 12544 : index
    %get3A_296 = vector.load %arg1[%get3A_294, %get3A_295] : memref<64x32000xf32, #tpu.memory_space<vmem>>, vector<64x256xf32>
    %add3A_297 = arith.addf %add3A_291, %get3A_296 : vector<64x256xf32>
    %exp3A_298 = math.exp %get3A_296 : vector<64x256xf32>
    %add3A_299 = arith.addf %add3A_293, %exp3A_298 : vector<64x256xf32>
    %get3A_300 = arith.constant 0 : index
    %get3A_301 = arith.constant 12800 : index
    %get3A_302 = vector.load %arg1[%get3A_300, %get3A_301] : memref<64x32000xf32, #tpu.memory_space<vmem>>, vector<64x256xf32>
    %add3A_303 = arith.addf %add3A_297, %get3A_302 : vector<64x256xf32>
    %exp3A_304 = math.exp %get3A_302 : vector<64x256xf32>
    %add3A_305 = arith.addf %add3A_299, %exp3A_304 : vector<64x256xf32>
    %get3A_306 = arith.constant 0 : index
    %get3A_307 = arith.constant 13056 : index
    %get3A_308 = vector.load %arg1[%get3A_306, %get3A_307] : memref<64x32000xf32, #tpu.memory_space<vmem>>, vector<64x256xf32>
    %add3A_309 = arith.addf %add3A_303, %get3A_308 : vector<64x256xf32>
    %exp3A_310 = math.exp %get3A_308 : vector<64x256xf32>
    %add3A_311 = arith.addf %add3A_305, %exp3A_310 : vector<64x256xf32>
    %get3A_312 = arith.constant 0 : index
    %get3A_313 = arith.constant 13312 : index
    %get3A_314 = vector.load %arg1[%get3A_312, %get3A_313] : memref<64x32000xf32, #tpu.memory_space<vmem>>, vector<64x256xf32>
    %add3A_315 = arith.addf %add3A_309, %get3A_314 : vector<64x256xf32>
    %exp3A_316 = math.exp %get3A_314 : vector<64x256xf32>
    %add3A_317 = arith.addf %add3A_311, %exp3A_316 : vector<64x256xf32>
    %get3A_318 = arith.constant 0 : index
    %get3A_319 = arith.constant 13568 : index
    %get3A_320 = vector.load %arg1[%get3A_318, %get3A_319] : memref<64x32000xf32, #tpu.memory_space<vmem>>, vector<64x256xf32>
    %add3A_321 = arith.addf %add3A_315, %get3A_320 : vector<64x256xf32>
    %exp3A_322 = math.exp %get3A_320 : vector<64x256xf32>
    %add3A_323 = arith.addf %add3A_317, %exp3A_322 : vector<64x256xf32>
    %get3A_324 = arith.constant 0 : index
    %get3A_325 = arith.constant 13824 : index
    %get3A_326 = vector.load %arg1[%get3A_324, %get3A_325] : memref<64x32000xf32, #tpu.memory_space<vmem>>, vector<64x256xf32>
    %add3A_327 = arith.addf %add3A_321, %get3A_326 : vector<64x256xf32>
    %exp3A_328 = math.exp %get3A_326 : vector<64x256xf32>
    %add3A_329 = arith.addf %add3A_323, %exp3A_328 : vector<64x256xf32>
    %get3A_330 = arith.constant 0 : index
    %get3A_331 = arith.constant 14080 : index
    %get3A_332 = vector.load %arg1[%get3A_330, %get3A_331] : memref<64x32000xf32, #tpu.memory_space<vmem>>, vector<64x256xf32>
    %add3A_333 = arith.addf %add3A_327, %get3A_332 : vector<64x256xf32>
    %exp3A_334 = math.exp %get3A_332 : vector<64x256xf32>
    %add3A_335 = arith.addf %add3A_329, %exp3A_334 : vector<64x256xf32>
    %get3A_336 = arith.constant 0 : index
    %get3A_337 = arith.constant 14336 : index
    %get3A_338 = vector.load %arg1[%get3A_336, %get3A_337] : memref<64x32000xf32, #tpu.memory_space<vmem>>, vector<64x256xf32>
    %add3A_339 = arith.addf %add3A_333, %get3A_338 : vector<64x256xf32>
    %exp3A_340 = math.exp %get3A_338 : vector<64x256xf32>
    %add3A_341 = arith.addf %add3A_335, %exp3A_340 : vector<64x256xf32>
    %get3A_342 = arith.constant 0 : index
    %get3A_343 = arith.constant 14592 : index
    %get3A_344 = vector.load %arg1[%get3A_342, %get3A_343] : memref<64x32000xf32, #tpu.memory_space<vmem>>, vector<64x256xf32>
    %add3A_345 = arith.addf %add3A_339, %get3A_344 : vector<64x256xf32>
    %exp3A_346 = math.exp %get3A_344 : vector<64x256xf32>
    %add3A_347 = arith.addf %add3A_341, %exp3A_346 : vector<64x256xf32>
    %get3A_348 = arith.constant 0 : index
    %get3A_349 = arith.constant 14848 : index
    %get3A_350 = vector.load %arg1[%get3A_348, %get3A_349] : memref<64x32000xf32, #tpu.memory_space<vmem>>, vector<64x256xf32>
    %add3A_351 = arith.addf %add3A_345, %get3A_350 : vector<64x256xf32>
    %exp3A_352 = math.exp %get3A_350 : vector<64x256xf32>
    %add3A_353 = arith.addf %add3A_347, %exp3A_352 : vector<64x256xf32>
    %get3A_354 = arith.constant 0 : index
    %get3A_355 = arith.constant 15104 : index
    %get3A_356 = vector.load %arg1[%get3A_354, %get3A_355] : memref<64x32000xf32, #tpu.memory_space<vmem>>, vector<64x256xf32>
    %add3A_357 = arith.addf %add3A_351, %get3A_356 : vector<64x256xf32>
    %exp3A_358 = math.exp %get3A_356 : vector<64x256xf32>
    %add3A_359 = arith.addf %add3A_353, %exp3A_358 : vector<64x256xf32>
    %get3A_360 = arith.constant 0 : index
    %get3A_361 = arith.constant 15360 : index
    %get3A_362 = vector.load %arg1[%get3A_360, %get3A_361] : memref<64x32000xf32, #tpu.memory_space<vmem>>, vector<64x256xf32>
    %add3A_363 = arith.addf %add3A_357, %get3A_362 : vector<64x256xf32>
    %exp3A_364 = math.exp %get3A_362 : vector<64x256xf32>
    %add3A_365 = arith.addf %add3A_359, %exp3A_364 : vector<64x256xf32>
    %get3A_366 = arith.constant 0 : index
    %get3A_367 = arith.constant 15616 : index
    %get3A_368 = vector.load %arg1[%get3A_366, %get3A_367] : memref<64x32000xf32, #tpu.memory_space<vmem>>, vector<64x256xf32>
    %add3A_369 = arith.addf %add3A_363, %get3A_368 : vector<64x256xf32>
    %exp3A_370 = math.exp %get3A_368 : vector<64x256xf32>
    %add3A_371 = arith.addf %add3A_365, %exp3A_370 : vector<64x256xf32>
    %get3A_372 = arith.constant 0 : index
    %get3A_373 = arith.constant 15872 : index
    %get3A_374 = vector.load %arg1[%get3A_372, %get3A_373] : memref<64x32000xf32, #tpu.memory_space<vmem>>, vector<64x256xf32>
    %add3A_375 = arith.addf %add3A_369, %get3A_374 : vector<64x256xf32>
    %exp3A_376 = math.exp %get3A_374 : vector<64x256xf32>
    %add3A_377 = arith.addf %add3A_371, %exp3A_376 : vector<64x256xf32>
    %get3A_378 = arith.constant 0 : index
    %get3A_379 = arith.constant 16128 : index
    %get3A_380 = vector.load %arg1[%get3A_378, %get3A_379] : memref<64x32000xf32, #tpu.memory_space<vmem>>, vector<64x256xf32>
    %add3A_381 = arith.addf %add3A_375, %get3A_380 : vector<64x256xf32>
    %exp3A_382 = math.exp %get3A_380 : vector<64x256xf32>
    %add3A_383 = arith.addf %add3A_377, %exp3A_382 : vector<64x256xf32>
    %get3A_384 = arith.constant 0 : index
    %get3A_385 = arith.constant 16384 : index
    %get3A_386 = vector.load %arg1[%get3A_384, %get3A_385] : memref<64x32000xf32, #tpu.memory_space<vmem>>, vector<64x256xf32>
    %add3A_387 = arith.addf %add3A_381, %get3A_386 : vector<64x256xf32>
    %exp3A_388 = math.exp %get3A_386 : vector<64x256xf32>
    %add3A_389 = arith.addf %add3A_383, %exp3A_388 : vector<64x256xf32>
    %get3A_390 = arith.constant 0 : index
    %get3A_391 = arith.constant 16640 : index
    %get3A_392 = vector.load %arg1[%get3A_390, %get3A_391] : memref<64x32000xf32, #tpu.memory_space<vmem>>, vector<64x256xf32>
    %add3A_393 = arith.addf %add3A_387, %get3A_392 : vector<64x256xf32>
    %exp3A_394 = math.exp %get3A_392 : vector<64x256xf32>
    %add3A_395 = arith.addf %add3A_389, %exp3A_394 : vector<64x256xf32>
    %get3A_396 = arith.constant 0 : index
    %get3A_397 = arith.constant 16896 : index
    %get3A_398 = vector.load %arg1[%get3A_396, %get3A_397] : memref<64x32000xf32, #tpu.memory_space<vmem>>, vector<64x256xf32>
    %add3A_399 = arith.addf %add3A_393, %get3A_398 : vector<64x256xf32>
    %exp3A_400 = math.exp %get3A_398 : vector<64x256xf32>
    %add3A_401 = arith.addf %add3A_395, %exp3A_400 : vector<64x256xf32>
    %get3A_402 = arith.constant 0 : index
    %get3A_403 = arith.constant 17152 : index
    %get3A_404 = vector.load %arg1[%get3A_402, %get3A_403] : memref<64x32000xf32, #tpu.memory_space<vmem>>, vector<64x256xf32>
    %add3A_405 = arith.addf %add3A_399, %get3A_404 : vector<64x256xf32>
    %exp3A_406 = math.exp %get3A_404 : vector<64x256xf32>
    %add3A_407 = arith.addf %add3A_401, %exp3A_406 : vector<64x256xf32>
    %get3A_408 = arith.constant 0 : index
    %get3A_409 = arith.constant 17408 : index
    %get3A_410 = vector.load %arg1[%get3A_408, %get3A_409] : memref<64x32000xf32, #tpu.memory_space<vmem>>, vector<64x256xf32>
    %add3A_411 = arith.addf %add3A_405, %get3A_410 : vector<64x256xf32>
    %exp3A_412 = math.exp %get3A_410 : vector<64x256xf32>
    %add3A_413 = arith.addf %add3A_407, %exp3A_412 : vector<64x256xf32>
    %get3A_414 = arith.constant 0 : index
    %get3A_415 = arith.constant 17664 : index
    %get3A_416 = vector.load %arg1[%get3A_414, %get3A_415] : memref<64x32000xf32, #tpu.memory_space<vmem>>, vector<64x256xf32>
    %add3A_417 = arith.addf %add3A_411, %get3A_416 : vector<64x256xf32>
    %exp3A_418 = math.exp %get3A_416 : vector<64x256xf32>
    %add3A_419 = arith.addf %add3A_413, %exp3A_418 : vector<64x256xf32>
    %get3A_420 = arith.constant 0 : index
    %get3A_421 = arith.constant 17920 : index
    %get3A_422 = vector.load %arg1[%get3A_420, %get3A_421] : memref<64x32000xf32, #tpu.memory_space<vmem>>, vector<64x256xf32>
    %add3A_423 = arith.addf %add3A_417, %get3A_422 : vector<64x256xf32>
    %exp3A_424 = math.exp %get3A_422 : vector<64x256xf32>
    %add3A_425 = arith.addf %add3A_419, %exp3A_424 : vector<64x256xf32>
    %get3A_426 = arith.constant 0 : index
    %get3A_427 = arith.constant 18176 : index
    %get3A_428 = vector.load %arg1[%get3A_426, %get3A_427] : memref<64x32000xf32, #tpu.memory_space<vmem>>, vector<64x256xf32>
    %add3A_429 = arith.addf %add3A_423, %get3A_428 : vector<64x256xf32>
    %exp3A_430 = math.exp %get3A_428 : vector<64x256xf32>
    %add3A_431 = arith.addf %add3A_425, %exp3A_430 : vector<64x256xf32>
    %get3A_432 = arith.constant 0 : index
    %get3A_433 = arith.constant 18432 : index
    %get3A_434 = vector.load %arg1[%get3A_432, %get3A_433] : memref<64x32000xf32, #tpu.memory_space<vmem>>, vector<64x256xf32>
    %add3A_435 = arith.addf %add3A_429, %get3A_434 : vector<64x256xf32>
    %exp3A_436 = math.exp %get3A_434 : vector<64x256xf32>
    %add3A_437 = arith.addf %add3A_431, %exp3A_436 : vector<64x256xf32>
    %get3A_438 = arith.constant 0 : index
    %get3A_439 = arith.constant 18688 : index
    %get3A_440 = vector.load %arg1[%get3A_438, %get3A_439] : memref<64x32000xf32, #tpu.memory_space<vmem>>, vector<64x256xf32>
    %add3A_441 = arith.addf %add3A_435, %get3A_440 : vector<64x256xf32>
    %exp3A_442 = math.exp %get3A_440 : vector<64x256xf32>
    %add3A_443 = arith.addf %add3A_437, %exp3A_442 : vector<64x256xf32>
    %get3A_444 = arith.constant 0 : index
    %get3A_445 = arith.constant 18944 : index
    %get3A_446 = vector.load %arg1[%get3A_444, %get3A_445] : memref<64x32000xf32, #tpu.memory_space<vmem>>, vector<64x256xf32>
    %add3A_447 = arith.addf %add3A_441, %get3A_446 : vector<64x256xf32>
    %exp3A_448 = math.exp %get3A_446 : vector<64x256xf32>
    %add3A_449 = arith.addf %add3A_443, %exp3A_448 : vector<64x256xf32>
    %get3A_450 = arith.constant 0 : index
    %get3A_451 = arith.constant 19200 : index
    %get3A_452 = vector.load %arg1[%get3A_450, %get3A_451] : memref<64x32000xf32, #tpu.memory_space<vmem>>, vector<64x256xf32>
    %add3A_453 = arith.addf %add3A_447, %get3A_452 : vector<64x256xf32>
    %exp3A_454 = math.exp %get3A_452 : vector<64x256xf32>
    %add3A_455 = arith.addf %add3A_449, %exp3A_454 : vector<64x256xf32>
    %get3A_456 = arith.constant 0 : index
    %get3A_457 = arith.constant 19456 : index
    %get3A_458 = vector.load %arg1[%get3A_456, %get3A_457] : memref<64x32000xf32, #tpu.memory_space<vmem>>, vector<64x256xf32>
    %add3A_459 = arith.addf %add3A_453, %get3A_458 : vector<64x256xf32>
    %exp3A_460 = math.exp %get3A_458 : vector<64x256xf32>
    %add3A_461 = arith.addf %add3A_455, %exp3A_460 : vector<64x256xf32>
    %get3A_462 = arith.constant 0 : index
    %get3A_463 = arith.constant 19712 : index
    %get3A_464 = vector.load %arg1[%get3A_462, %get3A_463] : memref<64x32000xf32, #tpu.memory_space<vmem>>, vector<64x256xf32>
    %add3A_465 = arith.addf %add3A_459, %get3A_464 : vector<64x256xf32>
    %exp3A_466 = math.exp %get3A_464 : vector<64x256xf32>
    %add3A_467 = arith.addf %add3A_461, %exp3A_466 : vector<64x256xf32>
    %get3A_468 = arith.constant 0 : index
    %get3A_469 = arith.constant 19968 : index
    %get3A_470 = vector.load %arg1[%get3A_468, %get3A_469] : memref<64x32000xf32, #tpu.memory_space<vmem>>, vector<64x256xf32>
    %add3A_471 = arith.addf %add3A_465, %get3A_470 : vector<64x256xf32>
    %exp3A_472 = math.exp %get3A_470 : vector<64x256xf32>
    %add3A_473 = arith.addf %add3A_467, %exp3A_472 : vector<64x256xf32>
    %get3A_474 = arith.constant 0 : index
    %get3A_475 = arith.constant 20224 : index
    %get3A_476 = vector.load %arg1[%get3A_474, %get3A_475] : memref<64x32000xf32, #tpu.memory_space<vmem>>, vector<64x256xf32>
    %add3A_477 = arith.addf %add3A_471, %get3A_476 : vector<64x256xf32>
    %exp3A_478 = math.exp %get3A_476 : vector<64x256xf32>
    %add3A_479 = arith.addf %add3A_473, %exp3A_478 : vector<64x256xf32>
    %get3A_480 = arith.constant 0 : index
    %get3A_481 = arith.constant 20480 : index
    %get3A_482 = vector.load %arg1[%get3A_480, %get3A_481] : memref<64x32000xf32, #tpu.memory_space<vmem>>, vector<64x256xf32>
    %add3A_483 = arith.addf %add3A_477, %get3A_482 : vector<64x256xf32>
    %exp3A_484 = math.exp %get3A_482 : vector<64x256xf32>
    %add3A_485 = arith.addf %add3A_479, %exp3A_484 : vector<64x256xf32>
    %get3A_486 = arith.constant 0 : index
    %get3A_487 = arith.constant 20736 : index
    %get3A_488 = vector.load %arg1[%get3A_486, %get3A_487] : memref<64x32000xf32, #tpu.memory_space<vmem>>, vector<64x256xf32>
    %add3A_489 = arith.addf %add3A_483, %get3A_488 : vector<64x256xf32>
    %exp3A_490 = math.exp %get3A_488 : vector<64x256xf32>
    %add3A_491 = arith.addf %add3A_485, %exp3A_490 : vector<64x256xf32>
    %get3A_492 = arith.constant 0 : index
    %get3A_493 = arith.constant 20992 : index
    %get3A_494 = vector.load %arg1[%get3A_492, %get3A_493] : memref<64x32000xf32, #tpu.memory_space<vmem>>, vector<64x256xf32>
    %add3A_495 = arith.addf %add3A_489, %get3A_494 : vector<64x256xf32>
    %exp3A_496 = math.exp %get3A_494 : vector<64x256xf32>
    %add3A_497 = arith.addf %add3A_491, %exp3A_496 : vector<64x256xf32>
    %get3A_498 = arith.constant 0 : index
    %get3A_499 = arith.constant 21248 : index
    %get3A_500 = vector.load %arg1[%get3A_498, %get3A_499] : memref<64x32000xf32, #tpu.memory_space<vmem>>, vector<64x256xf32>
    %add3A_501 = arith.addf %add3A_495, %get3A_500 : vector<64x256xf32>
    %exp3A_502 = math.exp %get3A_500 : vector<64x256xf32>
    %add3A_503 = arith.addf %add3A_497, %exp3A_502 : vector<64x256xf32>
    %get3A_504 = arith.constant 0 : index
    %get3A_505 = arith.constant 21504 : index
    %get3A_506 = vector.load %arg1[%get3A_504, %get3A_505] : memref<64x32000xf32, #tpu.memory_space<vmem>>, vector<64x256xf32>
    %add3A_507 = arith.addf %add3A_501, %get3A_506 : vector<64x256xf32>
    %exp3A_508 = math.exp %get3A_506 : vector<64x256xf32>
    %add3A_509 = arith.addf %add3A_503, %exp3A_508 : vector<64x256xf32>
    %get3A_510 = arith.constant 0 : index
    %get3A_511 = arith.constant 21760 : index
    %get3A_512 = vector.load %arg1[%get3A_510, %get3A_511] : memref<64x32000xf32, #tpu.memory_space<vmem>>, vector<64x256xf32>
    %add3A_513 = arith.addf %add3A_507, %get3A_512 : vector<64x256xf32>
    %exp3A_514 = math.exp %get3A_512 : vector<64x256xf32>
    %add3A_515 = arith.addf %add3A_509, %exp3A_514 : vector<64x256xf32>
    %get3A_516 = arith.constant 0 : index
    %get3A_517 = arith.constant 22016 : index
    %get3A_518 = vector.load %arg1[%get3A_516, %get3A_517] : memref<64x32000xf32, #tpu.memory_space<vmem>>, vector<64x256xf32>
    %add3A_519 = arith.addf %add3A_513, %get3A_518 : vector<64x256xf32>
    %exp3A_520 = math.exp %get3A_518 : vector<64x256xf32>
    %add3A_521 = arith.addf %add3A_515, %exp3A_520 : vector<64x256xf32>
    %get3A_522 = arith.constant 0 : index
    %get3A_523 = arith.constant 22272 : index
    %get3A_524 = vector.load %arg1[%get3A_522, %get3A_523] : memref<64x32000xf32, #tpu.memory_space<vmem>>, vector<64x256xf32>
    %add3A_525 = arith.addf %add3A_519, %get3A_524 : vector<64x256xf32>
    %exp3A_526 = math.exp %get3A_524 : vector<64x256xf32>
    %add3A_527 = arith.addf %add3A_521, %exp3A_526 : vector<64x256xf32>
    %get3A_528 = arith.constant 0 : index
    %get3A_529 = arith.constant 22528 : index
    %get3A_530 = vector.load %arg1[%get3A_528, %get3A_529] : memref<64x32000xf32, #tpu.memory_space<vmem>>, vector<64x256xf32>
    %add3A_531 = arith.addf %add3A_525, %get3A_530 : vector<64x256xf32>
    %exp3A_532 = math.exp %get3A_530 : vector<64x256xf32>
    %add3A_533 = arith.addf %add3A_527, %exp3A_532 : vector<64x256xf32>
    %get3A_534 = arith.constant 0 : index
    %get3A_535 = arith.constant 22784 : index
    %get3A_536 = vector.load %arg1[%get3A_534, %get3A_535] : memref<64x32000xf32, #tpu.memory_space<vmem>>, vector<64x256xf32>
    %add3A_537 = arith.addf %add3A_531, %get3A_536 : vector<64x256xf32>
    %exp3A_538 = math.exp %get3A_536 : vector<64x256xf32>
    %add3A_539 = arith.addf %add3A_533, %exp3A_538 : vector<64x256xf32>
    %get3A_540 = arith.constant 0 : index
    %get3A_541 = arith.constant 23040 : index
    %get3A_542 = vector.load %arg1[%get3A_540, %get3A_541] : memref<64x32000xf32, #tpu.memory_space<vmem>>, vector<64x256xf32>
    %add3A_543 = arith.addf %add3A_537, %get3A_542 : vector<64x256xf32>
    %exp3A_544 = math.exp %get3A_542 : vector<64x256xf32>
    %add3A_545 = arith.addf %add3A_539, %exp3A_544 : vector<64x256xf32>
    %get3A_546 = arith.constant 0 : index
    %get3A_547 = arith.constant 23296 : index
    %get3A_548 = vector.load %arg1[%get3A_546, %get3A_547] : memref<64x32000xf32, #tpu.memory_space<vmem>>, vector<64x256xf32>
    %add3A_549 = arith.addf %add3A_543, %get3A_548 : vector<64x256xf32>
    %exp3A_550 = math.exp %get3A_548 : vector<64x256xf32>
    %add3A_551 = arith.addf %add3A_545, %exp3A_550 : vector<64x256xf32>
    %get3A_552 = arith.constant 0 : index
    %get3A_553 = arith.constant 23552 : index
    %get3A_554 = vector.load %arg1[%get3A_552, %get3A_553] : memref<64x32000xf32, #tpu.memory_space<vmem>>, vector<64x256xf32>
    %add3A_555 = arith.addf %add3A_549, %get3A_554 : vector<64x256xf32>
    %exp3A_556 = math.exp %get3A_554 : vector<64x256xf32>
    %add3A_557 = arith.addf %add3A_551, %exp3A_556 : vector<64x256xf32>
    %get3A_558 = arith.constant 0 : index
    %get3A_559 = arith.constant 23808 : index
    %get3A_560 = vector.load %arg1[%get3A_558, %get3A_559] : memref<64x32000xf32, #tpu.memory_space<vmem>>, vector<64x256xf32>
    %add3A_561 = arith.addf %add3A_555, %get3A_560 : vector<64x256xf32>
    %exp3A_562 = math.exp %get3A_560 : vector<64x256xf32>
    %add3A_563 = arith.addf %add3A_557, %exp3A_562 : vector<64x256xf32>
    %get3A_564 = arith.constant 0 : index
    %get3A_565 = arith.constant 24064 : index
    %get3A_566 = vector.load %arg1[%get3A_564, %get3A_565] : memref<64x32000xf32, #tpu.memory_space<vmem>>, vector<64x256xf32>
    %add3A_567 = arith.addf %add3A_561, %get3A_566 : vector<64x256xf32>
    %exp3A_568 = math.exp %get3A_566 : vector<64x256xf32>
    %add3A_569 = arith.addf %add3A_563, %exp3A_568 : vector<64x256xf32>
    %get3A_570 = arith.constant 0 : index
    %get3A_571 = arith.constant 24320 : index
    %get3A_572 = vector.load %arg1[%get3A_570, %get3A_571] : memref<64x32000xf32, #tpu.memory_space<vmem>>, vector<64x256xf32>
    %add3A_573 = arith.addf %add3A_567, %get3A_572 : vector<64x256xf32>
    %exp3A_574 = math.exp %get3A_572 : vector<64x256xf32>
    %add3A_575 = arith.addf %add3A_569, %exp3A_574 : vector<64x256xf32>
    %get3A_576 = arith.constant 0 : index
    %get3A_577 = arith.constant 24576 : index
    %get3A_578 = vector.load %arg1[%get3A_576, %get3A_577] : memref<64x32000xf32, #tpu.memory_space<vmem>>, vector<64x256xf32>
    %add3A_579 = arith.addf %add3A_573, %get3A_578 : vector<64x256xf32>
    %exp3A_580 = math.exp %get3A_578 : vector<64x256xf32>
    %add3A_581 = arith.addf %add3A_575, %exp3A_580 : vector<64x256xf32>
    %get3A_582 = arith.constant 0 : index
    %get3A_583 = arith.constant 24832 : index
    %get3A_584 = vector.load %arg1[%get3A_582, %get3A_583] : memref<64x32000xf32, #tpu.memory_space<vmem>>, vector<64x256xf32>
    %add3A_585 = arith.addf %add3A_579, %get3A_584 : vector<64x256xf32>
    %exp3A_586 = math.exp %get3A_584 : vector<64x256xf32>
    %add3A_587 = arith.addf %add3A_581, %exp3A_586 : vector<64x256xf32>
    %get3A_588 = arith.constant 0 : index
    %get3A_589 = arith.constant 25088 : index
    %get3A_590 = vector.load %arg1[%get3A_588, %get3A_589] : memref<64x32000xf32, #tpu.memory_space<vmem>>, vector<64x256xf32>
    %add3A_591 = arith.addf %add3A_585, %get3A_590 : vector<64x256xf32>
    %exp3A_592 = math.exp %get3A_590 : vector<64x256xf32>
    %add3A_593 = arith.addf %add3A_587, %exp3A_592 : vector<64x256xf32>
    %get3A_594 = arith.constant 0 : index
    %get3A_595 = arith.constant 25344 : index
    %get3A_596 = vector.load %arg1[%get3A_594, %get3A_595] : memref<64x32000xf32, #tpu.memory_space<vmem>>, vector<64x256xf32>
    %add3A_597 = arith.addf %add3A_591, %get3A_596 : vector<64x256xf32>
    %exp3A_598 = math.exp %get3A_596 : vector<64x256xf32>
    %add3A_599 = arith.addf %add3A_593, %exp3A_598 : vector<64x256xf32>
    %get3A_600 = arith.constant 0 : index
    %get3A_601 = arith.constant 25600 : index
    %get3A_602 = vector.load %arg1[%get3A_600, %get3A_601] : memref<64x32000xf32, #tpu.memory_space<vmem>>, vector<64x256xf32>
    %add3A_603 = arith.addf %add3A_597, %get3A_602 : vector<64x256xf32>
    %exp3A_604 = math.exp %get3A_602 : vector<64x256xf32>
    %add3A_605 = arith.addf %add3A_599, %exp3A_604 : vector<64x256xf32>
    %get3A_606 = arith.constant 0 : index
    %get3A_607 = arith.constant 25856 : index
    %get3A_608 = vector.load %arg1[%get3A_606, %get3A_607] : memref<64x32000xf32, #tpu.memory_space<vmem>>, vector<64x256xf32>
    %add3A_609 = arith.addf %add3A_603, %get3A_608 : vector<64x256xf32>
    %exp3A_610 = math.exp %get3A_608 : vector<64x256xf32>
    %add3A_611 = arith.addf %add3A_605, %exp3A_610 : vector<64x256xf32>
    %get3A_612 = arith.constant 0 : index
    %get3A_613 = arith.constant 26112 : index
    %get3A_614 = vector.load %arg1[%get3A_612, %get3A_613] : memref<64x32000xf32, #tpu.memory_space<vmem>>, vector<64x256xf32>
    %add3A_615 = arith.addf %add3A_609, %get3A_614 : vector<64x256xf32>
    %exp3A_616 = math.exp %get3A_614 : vector<64x256xf32>
    %add3A_617 = arith.addf %add3A_611, %exp3A_616 : vector<64x256xf32>
    %get3A_618 = arith.constant 0 : index
    %get3A_619 = arith.constant 26368 : index
    %get3A_620 = vector.load %arg1[%get3A_618, %get3A_619] : memref<64x32000xf32, #tpu.memory_space<vmem>>, vector<64x256xf32>
    %add3A_621 = arith.addf %add3A_615, %get3A_620 : vector<64x256xf32>
    %exp3A_622 = math.exp %get3A_620 : vector<64x256xf32>
    %add3A_623 = arith.addf %add3A_617, %exp3A_622 : vector<64x256xf32>
    %get3A_624 = arith.constant 0 : index
    %get3A_625 = arith.constant 26624 : index
    %get3A_626 = vector.load %arg1[%get3A_624, %get3A_625] : memref<64x32000xf32, #tpu.memory_space<vmem>>, vector<64x256xf32>
    %add3A_627 = arith.addf %add3A_621, %get3A_626 : vector<64x256xf32>
    %exp3A_628 = math.exp %get3A_626 : vector<64x256xf32>
    %add3A_629 = arith.addf %add3A_623, %exp3A_628 : vector<64x256xf32>
    %get3A_630 = arith.constant 0 : index
    %get3A_631 = arith.constant 26880 : index
    %get3A_632 = vector.load %arg1[%get3A_630, %get3A_631] : memref<64x32000xf32, #tpu.memory_space<vmem>>, vector<64x256xf32>
    %add3A_633 = arith.addf %add3A_627, %get3A_632 : vector<64x256xf32>
    %exp3A_634 = math.exp %get3A_632 : vector<64x256xf32>
    %add3A_635 = arith.addf %add3A_629, %exp3A_634 : vector<64x256xf32>
    %get3A_636 = arith.constant 0 : index
    %get3A_637 = arith.constant 27136 : index
    %get3A_638 = vector.load %arg1[%get3A_636, %get3A_637] : memref<64x32000xf32, #tpu.memory_space<vmem>>, vector<64x256xf32>
    %add3A_639 = arith.addf %add3A_633, %get3A_638 : vector<64x256xf32>
    %exp3A_640 = math.exp %get3A_638 : vector<64x256xf32>
    %add3A_641 = arith.addf %add3A_635, %exp3A_640 : vector<64x256xf32>
    %get3A_642 = arith.constant 0 : index
    %get3A_643 = arith.constant 27392 : index
    %get3A_644 = vector.load %arg1[%get3A_642, %get3A_643] : memref<64x32000xf32, #tpu.memory_space<vmem>>, vector<64x256xf32>
    %add3A_645 = arith.addf %add3A_639, %get3A_644 : vector<64x256xf32>
    %exp3A_646 = math.exp %get3A_644 : vector<64x256xf32>
    %add3A_647 = arith.addf %add3A_641, %exp3A_646 : vector<64x256xf32>
    %get3A_648 = arith.constant 0 : index
    %get3A_649 = arith.constant 27648 : index
    %get3A_650 = vector.load %arg1[%get3A_648, %get3A_649] : memref<64x32000xf32, #tpu.memory_space<vmem>>, vector<64x256xf32>
    %add3A_651 = arith.addf %add3A_645, %get3A_650 : vector<64x256xf32>
    %exp3A_652 = math.exp %get3A_650 : vector<64x256xf32>
    %add3A_653 = arith.addf %add3A_647, %exp3A_652 : vector<64x256xf32>
    %get3A_654 = arith.constant 0 : index
    %get3A_655 = arith.constant 27904 : index
    %get3A_656 = vector.load %arg1[%get3A_654, %get3A_655] : memref<64x32000xf32, #tpu.memory_space<vmem>>, vector<64x256xf32>
    %add3A_657 = arith.addf %add3A_651, %get3A_656 : vector<64x256xf32>
    %exp3A_658 = math.exp %get3A_656 : vector<64x256xf32>
    %add3A_659 = arith.addf %add3A_653, %exp3A_658 : vector<64x256xf32>
    %get3A_660 = arith.constant 0 : index
    %get3A_661 = arith.constant 28160 : index
    %get3A_662 = vector.load %arg1[%get3A_660, %get3A_661] : memref<64x32000xf32, #tpu.memory_space<vmem>>, vector<64x256xf32>
    %add3A_663 = arith.addf %add3A_657, %get3A_662 : vector<64x256xf32>
    %exp3A_664 = math.exp %get3A_662 : vector<64x256xf32>
    %add3A_665 = arith.addf %add3A_659, %exp3A_664 : vector<64x256xf32>
    %get3A_666 = arith.constant 0 : index
    %get3A_667 = arith.constant 28416 : index
    %get3A_668 = vector.load %arg1[%get3A_666, %get3A_667] : memref<64x32000xf32, #tpu.memory_space<vmem>>, vector<64x256xf32>
    %add3A_669 = arith.addf %add3A_663, %get3A_668 : vector<64x256xf32>
    %exp3A_670 = math.exp %get3A_668 : vector<64x256xf32>
    %add3A_671 = arith.addf %add3A_665, %exp3A_670 : vector<64x256xf32>
    %get3A_672 = arith.constant 0 : index
    %get3A_673 = arith.constant 28672 : index
    %get3A_674 = vector.load %arg1[%get3A_672, %get3A_673] : memref<64x32000xf32, #tpu.memory_space<vmem>>, vector<64x256xf32>
    %add3A_675 = arith.addf %add3A_669, %get3A_674 : vector<64x256xf32>
    %exp3A_676 = math.exp %get3A_674 : vector<64x256xf32>
    %add3A_677 = arith.addf %add3A_671, %exp3A_676 : vector<64x256xf32>
    %get3A_678 = arith.constant 0 : index
    %get3A_679 = arith.constant 28928 : index
    %get3A_680 = vector.load %arg1[%get3A_678, %get3A_679] : memref<64x32000xf32, #tpu.memory_space<vmem>>, vector<64x256xf32>
    %add3A_681 = arith.addf %add3A_675, %get3A_680 : vector<64x256xf32>
    %exp3A_682 = math.exp %get3A_680 : vector<64x256xf32>
    %add3A_683 = arith.addf %add3A_677, %exp3A_682 : vector<64x256xf32>
    %get3A_684 = arith.constant 0 : index
    %get3A_685 = arith.constant 29184 : index
    %get3A_686 = vector.load %arg1[%get3A_684, %get3A_685] : memref<64x32000xf32, #tpu.memory_space<vmem>>, vector<64x256xf32>
    %add3A_687 = arith.addf %add3A_681, %get3A_686 : vector<64x256xf32>
    %exp3A_688 = math.exp %get3A_686 : vector<64x256xf32>
    %add3A_689 = arith.addf %add3A_683, %exp3A_688 : vector<64x256xf32>
    %get3A_690 = arith.constant 0 : index
    %get3A_691 = arith.constant 29440 : index
    %get3A_692 = vector.load %arg1[%get3A_690, %get3A_691] : memref<64x32000xf32, #tpu.memory_space<vmem>>, vector<64x256xf32>
    %add3A_693 = arith.addf %add3A_687, %get3A_692 : vector<64x256xf32>
    %exp3A_694 = math.exp %get3A_692 : vector<64x256xf32>
    %add3A_695 = arith.addf %add3A_689, %exp3A_694 : vector<64x256xf32>
    %get3A_696 = arith.constant 0 : index
    %get3A_697 = arith.constant 29696 : index
    %get3A_698 = vector.load %arg1[%get3A_696, %get3A_697] : memref<64x32000xf32, #tpu.memory_space<vmem>>, vector<64x256xf32>
    %add3A_699 = arith.addf %add3A_693, %get3A_698 : vector<64x256xf32>
    %exp3A_700 = math.exp %get3A_698 : vector<64x256xf32>
    %add3A_701 = arith.addf %add3A_695, %exp3A_700 : vector<64x256xf32>
    %get3A_702 = arith.constant 0 : index
    %get3A_703 = arith.constant 29952 : index
    %get3A_704 = vector.load %arg1[%get3A_702, %get3A_703] : memref<64x32000xf32, #tpu.memory_space<vmem>>, vector<64x256xf32>
    %add3A_705 = arith.addf %add3A_699, %get3A_704 : vector<64x256xf32>
    %exp3A_706 = math.exp %get3A_704 : vector<64x256xf32>
    %add3A_707 = arith.addf %add3A_701, %exp3A_706 : vector<64x256xf32>
    %get3A_708 = arith.constant 0 : index
    %get3A_709 = arith.constant 30208 : index
    %get3A_710 = vector.load %arg1[%get3A_708, %get3A_709] : memref<64x32000xf32, #tpu.memory_space<vmem>>, vector<64x256xf32>
    %add3A_711 = arith.addf %add3A_705, %get3A_710 : vector<64x256xf32>
    %exp3A_712 = math.exp %get3A_710 : vector<64x256xf32>
    %add3A_713 = arith.addf %add3A_707, %exp3A_712 : vector<64x256xf32>
    %get3A_714 = arith.constant 0 : index
    %get3A_715 = arith.constant 30464 : index
    %get3A_716 = vector.load %arg1[%get3A_714, %get3A_715] : memref<64x32000xf32, #tpu.memory_space<vmem>>, vector<64x256xf32>
    %add3A_717 = arith.addf %add3A_711, %get3A_716 : vector<64x256xf32>
    %exp3A_718 = math.exp %get3A_716 : vector<64x256xf32>
    %add3A_719 = arith.addf %add3A_713, %exp3A_718 : vector<64x256xf32>
    %get3A_720 = arith.constant 0 : index
    %get3A_721 = arith.constant 30720 : index
    %get3A_722 = vector.load %arg1[%get3A_720, %get3A_721] : memref<64x32000xf32, #tpu.memory_space<vmem>>, vector<64x256xf32>
    %add3A_723 = arith.addf %add3A_717, %get3A_722 : vector<64x256xf32>
    %exp3A_724 = math.exp %get3A_722 : vector<64x256xf32>
    %add3A_725 = arith.addf %add3A_719, %exp3A_724 : vector<64x256xf32>
    %get3A_726 = arith.constant 0 : index
    %get3A_727 = arith.constant 30976 : index
    %get3A_728 = vector.load %arg1[%get3A_726, %get3A_727] : memref<64x32000xf32, #tpu.memory_space<vmem>>, vector<64x256xf32>
    %add3A_729 = arith.addf %add3A_723, %get3A_728 : vector<64x256xf32>
    %exp3A_730 = math.exp %get3A_728 : vector<64x256xf32>
    %add3A_731 = arith.addf %add3A_725, %exp3A_730 : vector<64x256xf32>
    %get3A_732 = arith.constant 0 : index
    %get3A_733 = arith.constant 31232 : index
    %get3A_734 = vector.load %arg1[%get3A_732, %get3A_733] : memref<64x32000xf32, #tpu.memory_space<vmem>>, vector<64x256xf32>
    %add3A_735 = arith.addf %add3A_729, %get3A_734 : vector<64x256xf32>
    %exp3A_736 = math.exp %get3A_734 : vector<64x256xf32>
    %add3A_737 = arith.addf %add3A_731, %exp3A_736 : vector<64x256xf32>
    %get3A_738 = arith.constant 0 : index
    %get3A_739 = arith.constant 31488 : index
    %get3A_740 = vector.load %arg1[%get3A_738, %get3A_739] : memref<64x32000xf32, #tpu.memory_space<vmem>>, vector<64x256xf32>
    %add3A_741 = arith.addf %add3A_735, %get3A_740 : vector<64x256xf32>
    %exp3A_742 = math.exp %get3A_740 : vector<64x256xf32>
    %add3A_743 = arith.addf %add3A_737, %exp3A_742 : vector<64x256xf32>
    %get3A_744 = arith.constant 0 : index
    %get3A_745 = arith.constant 31744 : index
    %get3A_746 = vector.load %arg1[%get3A_744, %get3A_745] : memref<64x32000xf32, #tpu.memory_space<vmem>>, vector<64x256xf32>
    %add3A_747 = arith.addf %add3A_741, %get3A_746 : vector<64x256xf32>
    %exp3A_748 = math.exp %get3A_746 : vector<64x256xf32>
    %add3A_749 = arith.addf %add3A_743, %exp3A_748 : vector<64x256xf32>
    %reduce_sum3A = arith.constant dense<0.000000e+00> : vector<64xf32>
    %reduce_sum3A_750 = vector.multi_reduction <add>, %add3A_749, %reduce_sum3A [1] : vector<64x256xf32> to vector<64xf32>
    %broadcast_in_dim3A_751 = vector.shape_cast %reduce_sum3A_750 : vector<64xf32> to vector<64x1xf32>
    %log3A = math.log %broadcast_in_dim3A_751 : vector<64x1xf32>
    %reduce_sum3A_752 = arith.constant dense<0.000000e+00> : vector<64xf32>
    %reduce_sum3A_753 = vector.multi_reduction <add>, %add3A_747, %reduce_sum3A_752 [1] : vector<64x256xf32> to vector<64xf32>
    %broadcast_in_dim3A_754 = vector.shape_cast %reduce_sum3A_753 : vector<64xf32> to vector<64x1xf32>
    %mul3A = arith.constant 3.12509769E-6 : f32
    %mul3A_755 = vector.broadcast %mul3A : f32 to vector<64x1xf32>
    %mul3A_756 = arith.mulf %mul3A_755, %broadcast_in_dim3A_754 : vector<64x1xf32>
    %sub3A = arith.subf %log3A, %mul3A_756 : vector<64x1xf32>
    %reduce_sum3A_757 = vector.shape_cast %sub3A : vector<64x1xf32> to vector<1x64x1xf32>
    %reduce_sum3A_758 = arith.constant dense<0.000000e+00> : vector<1xf32>
    %reduce_sum3A_759 = vector.multi_reduction <add>, %reduce_sum3A_757, %reduce_sum3A_758 [1, 2] : vector<1x64x1xf32> to vector<1xf32>
    %reduce_sum3A_760 = vector.shape_cast %reduce_sum3A_759 : vector<1xf32> to vector<1x1x1xf32>
    %reduce_sum3A_761 = vector.extract %reduce_sum3A_760[0, 0, 0] : f32 from vector<1x1x1xf32>
    %add3A_762 = arith.constant 0.000000e+00 : f32
    %add3A_763 = arith.addf %add3A_762, %reduce_sum3A_761 : f32
    %broadcast_in_dim3A_764 = arith.constant 0.000000e+00 : f32
    %broadcast_in_dim3A_765 = vector.broadcast %broadcast_in_dim3A_764 : f32 to vector<64x256xf32>
    %broadcast_in_dim3A_766 = arith.constant 0.000000e+00 : f32
    %broadcast_in_dim3A_767 = vector.broadcast %broadcast_in_dim3A_766 : f32 to vector<64x256xf32>
    %get3A_768 = arith.constant 0 : index
    %get3A_769 = arith.constant 0 : index
    %get3A_770 = vector.load %arg2[%get3A_768, %get3A_769] : memref<64x32000xf32, #tpu.memory_space<vmem>>, vector<64x256xf32>
    %add3A_771 = arith.addf %broadcast_in_dim3A_765, %get3A_770 : vector<64x256xf32>
    %exp3A_772 = math.exp %get3A_770 : vector<64x256xf32>
    %add3A_773 = arith.addf %broadcast_in_dim3A_767, %exp3A_772 : vector<64x256xf32>
    %get3A_774 = arith.constant 0 : index
    %get3A_775 = arith.constant 256 : index
    %get3A_776 = vector.load %arg2[%get3A_774, %get3A_775] : memref<64x32000xf32, #tpu.memory_space<vmem>>, vector<64x256xf32>
    %add3A_777 = arith.addf %add3A_771, %get3A_776 : vector<64x256xf32>
    %exp3A_778 = math.exp %get3A_776 : vector<64x256xf32>
    %add3A_779 = arith.addf %add3A_773, %exp3A_778 : vector<64x256xf32>
    %get3A_780 = arith.constant 0 : index
    %get3A_781 = arith.constant 512 : index
    %get3A_782 = vector.load %arg2[%get3A_780, %get3A_781] : memref<64x32000xf32, #tpu.memory_space<vmem>>, vector<64x256xf32>
    %add3A_783 = arith.addf %add3A_777, %get3A_782 : vector<64x256xf32>
    %exp3A_784 = math.exp %get3A_782 : vector<64x256xf32>
    %add3A_785 = arith.addf %add3A_779, %exp3A_784 : vector<64x256xf32>
    %get3A_786 = arith.constant 0 : index
    %get3A_787 = arith.constant 768 : index
    %get3A_788 = vector.load %arg2[%get3A_786, %get3A_787] : memref<64x32000xf32, #tpu.memory_space<vmem>>, vector<64x256xf32>
    %add3A_789 = arith.addf %add3A_783, %get3A_788 : vector<64x256xf32>
    %exp3A_790 = math.exp %get3A_788 : vector<64x256xf32>
    %add3A_791 = arith.addf %add3A_785, %exp3A_790 : vector<64x256xf32>
    %get3A_792 = arith.constant 0 : index
    %get3A_793 = arith.constant 1024 : index
    %get3A_794 = vector.load %arg2[%get3A_792, %get3A_793] : memref<64x32000xf32, #tpu.memory_space<vmem>>, vector<64x256xf32>
    %add3A_795 = arith.addf %add3A_789, %get3A_794 : vector<64x256xf32>
    %exp3A_796 = math.exp %get3A_794 : vector<64x256xf32>
    %add3A_797 = arith.addf %add3A_791, %exp3A_796 : vector<64x256xf32>
    %get3A_798 = arith.constant 0 : index
    %get3A_799 = arith.constant 1280 : index
    %get3A_800 = vector.load %arg2[%get3A_798, %get3A_799] : memref<64x32000xf32, #tpu.memory_space<vmem>>, vector<64x256xf32>
    %add3A_801 = arith.addf %add3A_795, %get3A_800 : vector<64x256xf32>
    %exp3A_802 = math.exp %get3A_800 : vector<64x256xf32>
    %add3A_803 = arith.addf %add3A_797, %exp3A_802 : vector<64x256xf32>
    %get3A_804 = arith.constant 0 : index
    %get3A_805 = arith.constant 1536 : index
    %get3A_806 = vector.load %arg2[%get3A_804, %get3A_805] : memref<64x32000xf32, #tpu.memory_space<vmem>>, vector<64x256xf32>
    %add3A_807 = arith.addf %add3A_801, %get3A_806 : vector<64x256xf32>
    %exp3A_808 = math.exp %get3A_806 : vector<64x256xf32>
    %add3A_809 = arith.addf %add3A_803, %exp3A_808 : vector<64x256xf32>
    %get3A_810 = arith.constant 0 : index
    %get3A_811 = arith.constant 1792 : index
    %get3A_812 = vector.load %arg2[%get3A_810, %get3A_811] : memref<64x32000xf32, #tpu.memory_space<vmem>>, vector<64x256xf32>
    %add3A_813 = arith.addf %add3A_807, %get3A_812 : vector<64x256xf32>
    %exp3A_814 = math.exp %get3A_812 : vector<64x256xf32>
    %add3A_815 = arith.addf %add3A_809, %exp3A_814 : vector<64x256xf32>
    %get3A_816 = arith.constant 0 : index
    %get3A_817 = arith.constant 2048 : index
    %get3A_818 = vector.load %arg2[%get3A_816, %get3A_817] : memref<64x32000xf32, #tpu.memory_space<vmem>>, vector<64x256xf32>
    %add3A_819 = arith.addf %add3A_813, %get3A_818 : vector<64x256xf32>
    %exp3A_820 = math.exp %get3A_818 : vector<64x256xf32>
    %add3A_821 = arith.addf %add3A_815, %exp3A_820 : vector<64x256xf32>
    %get3A_822 = arith.constant 0 : index
    %get3A_823 = arith.constant 2304 : index
    %get3A_824 = vector.load %arg2[%get3A_822, %get3A_823] : memref<64x32000xf32, #tpu.memory_space<vmem>>, vector<64x256xf32>
    %add3A_825 = arith.addf %add3A_819, %get3A_824 : vector<64x256xf32>
    %exp3A_826 = math.exp %get3A_824 : vector<64x256xf32>
    %add3A_827 = arith.addf %add3A_821, %exp3A_826 : vector<64x256xf32>
    %get3A_828 = arith.constant 0 : index
    %get3A_829 = arith.constant 2560 : index
    %get3A_830 = vector.load %arg2[%get3A_828, %get3A_829] : memref<64x32000xf32, #tpu.memory_space<vmem>>, vector<64x256xf32>
    %add3A_831 = arith.addf %add3A_825, %get3A_830 : vector<64x256xf32>
    %exp3A_832 = math.exp %get3A_830 : vector<64x256xf32>
    %add3A_833 = arith.addf %add3A_827, %exp3A_832 : vector<64x256xf32>
    %get3A_834 = arith.constant 0 : index
    %get3A_835 = arith.constant 2816 : index
    %get3A_836 = vector.load %arg2[%get3A_834, %get3A_835] : memref<64x32000xf32, #tpu.memory_space<vmem>>, vector<64x256xf32>
    %add3A_837 = arith.addf %add3A_831, %get3A_836 : vector<64x256xf32>
    %exp3A_838 = math.exp %get3A_836 : vector<64x256xf32>
    %add3A_839 = arith.addf %add3A_833, %exp3A_838 : vector<64x256xf32>
    %get3A_840 = arith.constant 0 : index
    %get3A_841 = arith.constant 3072 : index
    %get3A_842 = vector.load %arg2[%get3A_840, %get3A_841] : memref<64x32000xf32, #tpu.memory_space<vmem>>, vector<64x256xf32>
    %add3A_843 = arith.addf %add3A_837, %get3A_842 : vector<64x256xf32>
    %exp3A_844 = math.exp %get3A_842 : vector<64x256xf32>
    %add3A_845 = arith.addf %add3A_839, %exp3A_844 : vector<64x256xf32>
    %get3A_846 = arith.constant 0 : index
    %get3A_847 = arith.constant 3328 : index
    %get3A_848 = vector.load %arg2[%get3A_846, %get3A_847] : memref<64x32000xf32, #tpu.memory_space<vmem>>, vector<64x256xf32>
    %add3A_849 = arith.addf %add3A_843, %get3A_848 : vector<64x256xf32>
    %exp3A_850 = math.exp %get3A_848 : vector<64x256xf32>
    %add3A_851 = arith.addf %add3A_845, %exp3A_850 : vector<64x256xf32>
    %get3A_852 = arith.constant 0 : index
    %get3A_853 = arith.constant 3584 : index
    %get3A_854 = vector.load %arg2[%get3A_852, %get3A_853] : memref<64x32000xf32, #tpu.memory_space<vmem>>, vector<64x256xf32>
    %add3A_855 = arith.addf %add3A_849, %get3A_854 : vector<64x256xf32>
    %exp3A_856 = math.exp %get3A_854 : vector<64x256xf32>
    %add3A_857 = arith.addf %add3A_851, %exp3A_856 : vector<64x256xf32>
    %get3A_858 = arith.constant 0 : index
    %get3A_859 = arith.constant 3840 : index
    %get3A_860 = vector.load %arg2[%get3A_858, %get3A_859] : memref<64x32000xf32, #tpu.memory_space<vmem>>, vector<64x256xf32>
    %add3A_861 = arith.addf %add3A_855, %get3A_860 : vector<64x256xf32>
    %exp3A_862 = math.exp %get3A_860 : vector<64x256xf32>
    %add3A_863 = arith.addf %add3A_857, %exp3A_862 : vector<64x256xf32>
    %get3A_864 = arith.constant 0 : index
    %get3A_865 = arith.constant 4096 : index
    %get3A_866 = vector.load %arg2[%get3A_864, %get3A_865] : memref<64x32000xf32, #tpu.memory_space<vmem>>, vector<64x256xf32>
    %add3A_867 = arith.addf %add3A_861, %get3A_866 : vector<64x256xf32>
    %exp3A_868 = math.exp %get3A_866 : vector<64x256xf32>
    %add3A_869 = arith.addf %add3A_863, %exp3A_868 : vector<64x256xf32>
    %get3A_870 = arith.constant 0 : index
    %get3A_871 = arith.constant 4352 : index
    %get3A_872 = vector.load %arg2[%get3A_870, %get3A_871] : memref<64x32000xf32, #tpu.memory_space<vmem>>, vector<64x256xf32>
    %add3A_873 = arith.addf %add3A_867, %get3A_872 : vector<64x256xf32>
    %exp3A_874 = math.exp %get3A_872 : vector<64x256xf32>
    %add3A_875 = arith.addf %add3A_869, %exp3A_874 : vector<64x256xf32>
    %get3A_876 = arith.constant 0 : index
    %get3A_877 = arith.constant 4608 : index
    %get3A_878 = vector.load %arg2[%get3A_876, %get3A_877] : memref<64x32000xf32, #tpu.memory_space<vmem>>, vector<64x256xf32>
    %add3A_879 = arith.addf %add3A_873, %get3A_878 : vector<64x256xf32>
    %exp3A_880 = math.exp %get3A_878 : vector<64x256xf32>
    %add3A_881 = arith.addf %add3A_875, %exp3A_880 : vector<64x256xf32>
    %get3A_882 = arith.constant 0 : index
    %get3A_883 = arith.constant 4864 : index
    %get3A_884 = vector.load %arg2[%get3A_882, %get3A_883] : memref<64x32000xf32, #tpu.memory_space<vmem>>, vector<64x256xf32>
    %add3A_885 = arith.addf %add3A_879, %get3A_884 : vector<64x256xf32>
    %exp3A_886 = math.exp %get3A_884 : vector<64x256xf32>
    %add3A_887 = arith.addf %add3A_881, %exp3A_886 : vector<64x256xf32>
    %get3A_888 = arith.constant 0 : index
    %get3A_889 = arith.constant 5120 : index
    %get3A_890 = vector.load %arg2[%get3A_888, %get3A_889] : memref<64x32000xf32, #tpu.memory_space<vmem>>, vector<64x256xf32>
    %add3A_891 = arith.addf %add3A_885, %get3A_890 : vector<64x256xf32>
    %exp3A_892 = math.exp %get3A_890 : vector<64x256xf32>
    %add3A_893 = arith.addf %add3A_887, %exp3A_892 : vector<64x256xf32>
    %get3A_894 = arith.constant 0 : index
    %get3A_895 = arith.constant 5376 : index
    %get3A_896 = vector.load %arg2[%get3A_894, %get3A_895] : memref<64x32000xf32, #tpu.memory_space<vmem>>, vector<64x256xf32>
    %add3A_897 = arith.addf %add3A_891, %get3A_896 : vector<64x256xf32>
    %exp3A_898 = math.exp %get3A_896 : vector<64x256xf32>
    %add3A_899 = arith.addf %add3A_893, %exp3A_898 : vector<64x256xf32>
    %get3A_900 = arith.constant 0 : index
    %get3A_901 = arith.constant 5632 : index
    %get3A_902 = vector.load %arg2[%get3A_900, %get3A_901] : memref<64x32000xf32, #tpu.memory_space<vmem>>, vector<64x256xf32>
    %add3A_903 = arith.addf %add3A_897, %get3A_902 : vector<64x256xf32>
    %exp3A_904 = math.exp %get3A_902 : vector<64x256xf32>
    %add3A_905 = arith.addf %add3A_899, %exp3A_904 : vector<64x256xf32>
    %get3A_906 = arith.constant 0 : index
    %get3A_907 = arith.constant 5888 : index
    %get3A_908 = vector.load %arg2[%get3A_906, %get3A_907] : memref<64x32000xf32, #tpu.memory_space<vmem>>, vector<64x256xf32>
    %add3A_909 = arith.addf %add3A_903, %get3A_908 : vector<64x256xf32>
    %exp3A_910 = math.exp %get3A_908 : vector<64x256xf32>
    %add3A_911 = arith.addf %add3A_905, %exp3A_910 : vector<64x256xf32>
    %get3A_912 = arith.constant 0 : index
    %get3A_913 = arith.constant 6144 : index
    %get3A_914 = vector.load %arg2[%get3A_912, %get3A_913] : memref<64x32000xf32, #tpu.memory_space<vmem>>, vector<64x256xf32>
    %add3A_915 = arith.addf %add3A_909, %get3A_914 : vector<64x256xf32>
    %exp3A_916 = math.exp %get3A_914 : vector<64x256xf32>
    %add3A_917 = arith.addf %add3A_911, %exp3A_916 : vector<64x256xf32>
    %get3A_918 = arith.constant 0 : index
    %get3A_919 = arith.constant 6400 : index
    %get3A_920 = vector.load %arg2[%get3A_918, %get3A_919] : memref<64x32000xf32, #tpu.memory_space<vmem>>, vector<64x256xf32>
    %add3A_921 = arith.addf %add3A_915, %get3A_920 : vector<64x256xf32>
    %exp3A_922 = math.exp %get3A_920 : vector<64x256xf32>
    %add3A_923 = arith.addf %add3A_917, %exp3A_922 : vector<64x256xf32>
    %get3A_924 = arith.constant 0 : index
    %get3A_925 = arith.constant 6656 : index
    %get3A_926 = vector.load %arg2[%get3A_924, %get3A_925] : memref<64x32000xf32, #tpu.memory_space<vmem>>, vector<64x256xf32>
    %add3A_927 = arith.addf %add3A_921, %get3A_926 : vector<64x256xf32>
    %exp3A_928 = math.exp %get3A_926 : vector<64x256xf32>
    %add3A_929 = arith.addf %add3A_923, %exp3A_928 : vector<64x256xf32>
    %get3A_930 = arith.constant 0 : index
    %get3A_931 = arith.constant 6912 : index
    %get3A_932 = vector.load %arg2[%get3A_930, %get3A_931] : memref<64x32000xf32, #tpu.memory_space<vmem>>, vector<64x256xf32>
    %add3A_933 = arith.addf %add3A_927, %get3A_932 : vector<64x256xf32>
    %exp3A_934 = math.exp %get3A_932 : vector<64x256xf32>
    %add3A_935 = arith.addf %add3A_929, %exp3A_934 : vector<64x256xf32>
    %get3A_936 = arith.constant 0 : index
    %get3A_937 = arith.constant 7168 : index
    %get3A_938 = vector.load %arg2[%get3A_936, %get3A_937] : memref<64x32000xf32, #tpu.memory_space<vmem>>, vector<64x256xf32>
    %add3A_939 = arith.addf %add3A_933, %get3A_938 : vector<64x256xf32>
    %exp3A_940 = math.exp %get3A_938 : vector<64x256xf32>
    %add3A_941 = arith.addf %add3A_935, %exp3A_940 : vector<64x256xf32>
    %get3A_942 = arith.constant 0 : index
    %get3A_943 = arith.constant 7424 : index
    %get3A_944 = vector.load %arg2[%get3A_942, %get3A_943] : memref<64x32000xf32, #tpu.memory_space<vmem>>, vector<64x256xf32>
    %add3A_945 = arith.addf %add3A_939, %get3A_944 : vector<64x256xf32>
    %exp3A_946 = math.exp %get3A_944 : vector<64x256xf32>
    %add3A_947 = arith.addf %add3A_941, %exp3A_946 : vector<64x256xf32>
    %get3A_948 = arith.constant 0 : index
    %get3A_949 = arith.constant 7680 : index
    %get3A_950 = vector.load %arg2[%get3A_948, %get3A_949] : memref<64x32000xf32, #tpu.memory_space<vmem>>, vector<64x256xf32>
    %add3A_951 = arith.addf %add3A_945, %get3A_950 : vector<64x256xf32>
    %exp3A_952 = math.exp %get3A_950 : vector<64x256xf32>
    %add3A_953 = arith.addf %add3A_947, %exp3A_952 : vector<64x256xf32>
    %get3A_954 = arith.constant 0 : index
    %get3A_955 = arith.constant 7936 : index
    %get3A_956 = vector.load %arg2[%get3A_954, %get3A_955] : memref<64x32000xf32, #tpu.memory_space<vmem>>, vector<64x256xf32>
    %add3A_957 = arith.addf %add3A_951, %get3A_956 : vector<64x256xf32>
    %exp3A_958 = math.exp %get3A_956 : vector<64x256xf32>
    %add3A_959 = arith.addf %add3A_953, %exp3A_958 : vector<64x256xf32>
    %get3A_960 = arith.constant 0 : index
    %get3A_961 = arith.constant 8192 : index
    %get3A_962 = vector.load %arg2[%get3A_960, %get3A_961] : memref<64x32000xf32, #tpu.memory_space<vmem>>, vector<64x256xf32>
    %add3A_963 = arith.addf %add3A_957, %get3A_962 : vector<64x256xf32>
    %exp3A_964 = math.exp %get3A_962 : vector<64x256xf32>
    %add3A_965 = arith.addf %add3A_959, %exp3A_964 : vector<64x256xf32>
    %get3A_966 = arith.constant 0 : index
    %get3A_967 = arith.constant 8448 : index
    %get3A_968 = vector.load %arg2[%get3A_966, %get3A_967] : memref<64x32000xf32, #tpu.memory_space<vmem>>, vector<64x256xf32>
    %add3A_969 = arith.addf %add3A_963, %get3A_968 : vector<64x256xf32>
    %exp3A_970 = math.exp %get3A_968 : vector<64x256xf32>
    %add3A_971 = arith.addf %add3A_965, %exp3A_970 : vector<64x256xf32>
    %get3A_972 = arith.constant 0 : index
    %get3A_973 = arith.constant 8704 : index
    %get3A_974 = vector.load %arg2[%get3A_972, %get3A_973] : memref<64x32000xf32, #tpu.memory_space<vmem>>, vector<64x256xf32>
    %add3A_975 = arith.addf %add3A_969, %get3A_974 : vector<64x256xf32>
    %exp3A_976 = math.exp %get3A_974 : vector<64x256xf32>
    %add3A_977 = arith.addf %add3A_971, %exp3A_976 : vector<64x256xf32>
    %get3A_978 = arith.constant 0 : index
    %get3A_979 = arith.constant 8960 : index
    %get3A_980 = vector.load %arg2[%get3A_978, %get3A_979] : memref<64x32000xf32, #tpu.memory_space<vmem>>, vector<64x256xf32>
    %add3A_981 = arith.addf %add3A_975, %get3A_980 : vector<64x256xf32>
    %exp3A_982 = math.exp %get3A_980 : vector<64x256xf32>
    %add3A_983 = arith.addf %add3A_977, %exp3A_982 : vector<64x256xf32>
    %get3A_984 = arith.constant 0 : index
    %get3A_985 = arith.constant 9216 : index
    %get3A_986 = vector.load %arg2[%get3A_984, %get3A_985] : memref<64x32000xf32, #tpu.memory_space<vmem>>, vector<64x256xf32>
    %add3A_987 = arith.addf %add3A_981, %get3A_986 : vector<64x256xf32>
    %exp3A_988 = math.exp %get3A_986 : vector<64x256xf32>
    %add3A_989 = arith.addf %add3A_983, %exp3A_988 : vector<64x256xf32>
    %get3A_990 = arith.constant 0 : index
    %get3A_991 = arith.constant 9472 : index
    %get3A_992 = vector.load %arg2[%get3A_990, %get3A_991] : memref<64x32000xf32, #tpu.memory_space<vmem>>, vector<64x256xf32>
    %add3A_993 = arith.addf %add3A_987, %get3A_992 : vector<64x256xf32>
    %exp3A_994 = math.exp %get3A_992 : vector<64x256xf32>
    %add3A_995 = arith.addf %add3A_989, %exp3A_994 : vector<64x256xf32>
    %get3A_996 = arith.constant 0 : index
    %get3A_997 = arith.constant 9728 : index
    %get3A_998 = vector.load %arg2[%get3A_996, %get3A_997] : memref<64x32000xf32, #tpu.memory_space<vmem>>, vector<64x256xf32>
    %add3A_999 = arith.addf %add3A_993, %get3A_998 : vector<64x256xf32>
    %exp3A_1000 = math.exp %get3A_998 : vector<64x256xf32>
    %add3A_1001 = arith.addf %add3A_995, %exp3A_1000 : vector<64x256xf32>
    %get3A_1002 = arith.constant 0 : index
    %get3A_1003 = arith.constant 9984 : index
    %get3A_1004 = vector.load %arg2[%get3A_1002, %get3A_1003] : memref<64x32000xf32, #tpu.memory_space<vmem>>, vector<64x256xf32>
    %add3A_1005 = arith.addf %add3A_999, %get3A_1004 : vector<64x256xf32>
    %exp3A_1006 = math.exp %get3A_1004 : vector<64x256xf32>
    %add3A_1007 = arith.addf %add3A_1001, %exp3A_1006 : vector<64x256xf32>
    %get3A_1008 = arith.constant 0 : index
    %get3A_1009 = arith.constant 10240 : index
    %get3A_1010 = vector.load %arg2[%get3A_1008, %get3A_1009] : memref<64x32000xf32, #tpu.memory_space<vmem>>, vector<64x256xf32>
    %add3A_1011 = arith.addf %add3A_1005, %get3A_1010 : vector<64x256xf32>
    %exp3A_1012 = math.exp %get3A_1010 : vector<64x256xf32>
    %add3A_1013 = arith.addf %add3A_1007, %exp3A_1012 : vector<64x256xf32>
    %get3A_1014 = arith.constant 0 : index
    %get3A_1015 = arith.constant 10496 : index
    %get3A_1016 = vector.load %arg2[%get3A_1014, %get3A_1015] : memref<64x32000xf32, #tpu.memory_space<vmem>>, vector<64x256xf32>
    %add3A_1017 = arith.addf %add3A_1011, %get3A_1016 : vector<64x256xf32>
    %exp3A_1018 = math.exp %get3A_1016 : vector<64x256xf32>
    %add3A_1019 = arith.addf %add3A_1013, %exp3A_1018 : vector<64x256xf32>
    %get3A_1020 = arith.constant 0 : index
    %get3A_1021 = arith.constant 10752 : index
    %get3A_1022 = vector.load %arg2[%get3A_1020, %get3A_1021] : memref<64x32000xf32, #tpu.memory_space<vmem>>, vector<64x256xf32>
    %add3A_1023 = arith.addf %add3A_1017, %get3A_1022 : vector<64x256xf32>
    %exp3A_1024 = math.exp %get3A_1022 : vector<64x256xf32>
    %add3A_1025 = arith.addf %add3A_1019, %exp3A_1024 : vector<64x256xf32>
    %get3A_1026 = arith.constant 0 : index
    %get3A_1027 = arith.constant 11008 : index
    %get3A_1028 = vector.load %arg2[%get3A_1026, %get3A_1027] : memref<64x32000xf32, #tpu.memory_space<vmem>>, vector<64x256xf32>
    %add3A_1029 = arith.addf %add3A_1023, %get3A_1028 : vector<64x256xf32>
    %exp3A_1030 = math.exp %get3A_1028 : vector<64x256xf32>
    %add3A_1031 = arith.addf %add3A_1025, %exp3A_1030 : vector<64x256xf32>
    %get3A_1032 = arith.constant 0 : index
    %get3A_1033 = arith.constant 11264 : index
    %get3A_1034 = vector.load %arg2[%get3A_1032, %get3A_1033] : memref<64x32000xf32, #tpu.memory_space<vmem>>, vector<64x256xf32>
    %add3A_1035 = arith.addf %add3A_1029, %get3A_1034 : vector<64x256xf32>
    %exp3A_1036 = math.exp %get3A_1034 : vector<64x256xf32>
    %add3A_1037 = arith.addf %add3A_1031, %exp3A_1036 : vector<64x256xf32>
    %get3A_1038 = arith.constant 0 : index
    %get3A_1039 = arith.constant 11520 : index
    %get3A_1040 = vector.load %arg2[%get3A_1038, %get3A_1039] : memref<64x32000xf32, #tpu.memory_space<vmem>>, vector<64x256xf32>
    %add3A_1041 = arith.addf %add3A_1035, %get3A_1040 : vector<64x256xf32>
    %exp3A_1042 = math.exp %get3A_1040 : vector<64x256xf32>
    %add3A_1043 = arith.addf %add3A_1037, %exp3A_1042 : vector<64x256xf32>
    %get3A_1044 = arith.constant 0 : index
    %get3A_1045 = arith.constant 11776 : index
    %get3A_1046 = vector.load %arg2[%get3A_1044, %get3A_1045] : memref<64x32000xf32, #tpu.memory_space<vmem>>, vector<64x256xf32>
    %add3A_1047 = arith.addf %add3A_1041, %get3A_1046 : vector<64x256xf32>
    %exp3A_1048 = math.exp %get3A_1046 : vector<64x256xf32>
    %add3A_1049 = arith.addf %add3A_1043, %exp3A_1048 : vector<64x256xf32>
    %get3A_1050 = arith.constant 0 : index
    %get3A_1051 = arith.constant 12032 : index
    %get3A_1052 = vector.load %arg2[%get3A_1050, %get3A_1051] : memref<64x32000xf32, #tpu.memory_space<vmem>>, vector<64x256xf32>
    %add3A_1053 = arith.addf %add3A_1047, %get3A_1052 : vector<64x256xf32>
    %exp3A_1054 = math.exp %get3A_1052 : vector<64x256xf32>
    %add3A_1055 = arith.addf %add3A_1049, %exp3A_1054 : vector<64x256xf32>
    %get3A_1056 = arith.constant 0 : index
    %get3A_1057 = arith.constant 12288 : index
    %get3A_1058 = vector.load %arg2[%get3A_1056, %get3A_1057] : memref<64x32000xf32, #tpu.memory_space<vmem>>, vector<64x256xf32>
    %add3A_1059 = arith.addf %add3A_1053, %get3A_1058 : vector<64x256xf32>
    %exp3A_1060 = math.exp %get3A_1058 : vector<64x256xf32>
    %add3A_1061 = arith.addf %add3A_1055, %exp3A_1060 : vector<64x256xf32>
    %get3A_1062 = arith.constant 0 : index
    %get3A_1063 = arith.constant 12544 : index
    %get3A_1064 = vector.load %arg2[%get3A_1062, %get3A_1063] : memref<64x32000xf32, #tpu.memory_space<vmem>>, vector<64x256xf32>
    %add3A_1065 = arith.addf %add3A_1059, %get3A_1064 : vector<64x256xf32>
    %exp3A_1066 = math.exp %get3A_1064 : vector<64x256xf32>
    %add3A_1067 = arith.addf %add3A_1061, %exp3A_1066 : vector<64x256xf32>
    %get3A_1068 = arith.constant 0 : index
    %get3A_1069 = arith.constant 12800 : index
    %get3A_1070 = vector.load %arg2[%get3A_1068, %get3A_1069] : memref<64x32000xf32, #tpu.memory_space<vmem>>, vector<64x256xf32>
    %add3A_1071 = arith.addf %add3A_1065, %get3A_1070 : vector<64x256xf32>
    %exp3A_1072 = math.exp %get3A_1070 : vector<64x256xf32>
    %add3A_1073 = arith.addf %add3A_1067, %exp3A_1072 : vector<64x256xf32>
    %get3A_1074 = arith.constant 0 : index
    %get3A_1075 = arith.constant 13056 : index
    %get3A_1076 = vector.load %arg2[%get3A_1074, %get3A_1075] : memref<64x32000xf32, #tpu.memory_space<vmem>>, vector<64x256xf32>
    %add3A_1077 = arith.addf %add3A_1071, %get3A_1076 : vector<64x256xf32>
    %exp3A_1078 = math.exp %get3A_1076 : vector<64x256xf32>
    %add3A_1079 = arith.addf %add3A_1073, %exp3A_1078 : vector<64x256xf32>
    %get3A_1080 = arith.constant 0 : index
    %get3A_1081 = arith.constant 13312 : index
    %get3A_1082 = vector.load %arg2[%get3A_1080, %get3A_1081] : memref<64x32000xf32, #tpu.memory_space<vmem>>, vector<64x256xf32>
    %add3A_1083 = arith.addf %add3A_1077, %get3A_1082 : vector<64x256xf32>
    %exp3A_1084 = math.exp %get3A_1082 : vector<64x256xf32>
    %add3A_1085 = arith.addf %add3A_1079, %exp3A_1084 : vector<64x256xf32>
    %get3A_1086 = arith.constant 0 : index
    %get3A_1087 = arith.constant 13568 : index
    %get3A_1088 = vector.load %arg2[%get3A_1086, %get3A_1087] : memref<64x32000xf32, #tpu.memory_space<vmem>>, vector<64x256xf32>
    %add3A_1089 = arith.addf %add3A_1083, %get3A_1088 : vector<64x256xf32>
    %exp3A_1090 = math.exp %get3A_1088 : vector<64x256xf32>
    %add3A_1091 = arith.addf %add3A_1085, %exp3A_1090 : vector<64x256xf32>
    %get3A_1092 = arith.constant 0 : index
    %get3A_1093 = arith.constant 13824 : index
    %get3A_1094 = vector.load %arg2[%get3A_1092, %get3A_1093] : memref<64x32000xf32, #tpu.memory_space<vmem>>, vector<64x256xf32>
    %add3A_1095 = arith.addf %add3A_1089, %get3A_1094 : vector<64x256xf32>
    %exp3A_1096 = math.exp %get3A_1094 : vector<64x256xf32>
    %add3A_1097 = arith.addf %add3A_1091, %exp3A_1096 : vector<64x256xf32>
    %get3A_1098 = arith.constant 0 : index
    %get3A_1099 = arith.constant 14080 : index
    %get3A_1100 = vector.load %arg2[%get3A_1098, %get3A_1099] : memref<64x32000xf32, #tpu.memory_space<vmem>>, vector<64x256xf32>
    %add3A_1101 = arith.addf %add3A_1095, %get3A_1100 : vector<64x256xf32>
    %exp3A_1102 = math.exp %get3A_1100 : vector<64x256xf32>
    %add3A_1103 = arith.addf %add3A_1097, %exp3A_1102 : vector<64x256xf32>
    %get3A_1104 = arith.constant 0 : index
    %get3A_1105 = arith.constant 14336 : index
    %get3A_1106 = vector.load %arg2[%get3A_1104, %get3A_1105] : memref<64x32000xf32, #tpu.memory_space<vmem>>, vector<64x256xf32>
    %add3A_1107 = arith.addf %add3A_1101, %get3A_1106 : vector<64x256xf32>
    %exp3A_1108 = math.exp %get3A_1106 : vector<64x256xf32>
    %add3A_1109 = arith.addf %add3A_1103, %exp3A_1108 : vector<64x256xf32>
    %get3A_1110 = arith.constant 0 : index
    %get3A_1111 = arith.constant 14592 : index
    %get3A_1112 = vector.load %arg2[%get3A_1110, %get3A_1111] : memref<64x32000xf32, #tpu.memory_space<vmem>>, vector<64x256xf32>
    %add3A_1113 = arith.addf %add3A_1107, %get3A_1112 : vector<64x256xf32>
    %exp3A_1114 = math.exp %get3A_1112 : vector<64x256xf32>
    %add3A_1115 = arith.addf %add3A_1109, %exp3A_1114 : vector<64x256xf32>
    %get3A_1116 = arith.constant 0 : index
    %get3A_1117 = arith.constant 14848 : index
    %get3A_1118 = vector.load %arg2[%get3A_1116, %get3A_1117] : memref<64x32000xf32, #tpu.memory_space<vmem>>, vector<64x256xf32>
    %add3A_1119 = arith.addf %add3A_1113, %get3A_1118 : vector<64x256xf32>
    %exp3A_1120 = math.exp %get3A_1118 : vector<64x256xf32>
    %add3A_1121 = arith.addf %add3A_1115, %exp3A_1120 : vector<64x256xf32>
    %get3A_1122 = arith.constant 0 : index
    %get3A_1123 = arith.constant 15104 : index
    %get3A_1124 = vector.load %arg2[%get3A_1122, %get3A_1123] : memref<64x32000xf32, #tpu.memory_space<vmem>>, vector<64x256xf32>
    %add3A_1125 = arith.addf %add3A_1119, %get3A_1124 : vector<64x256xf32>
    %exp3A_1126 = math.exp %get3A_1124 : vector<64x256xf32>
    %add3A_1127 = arith.addf %add3A_1121, %exp3A_1126 : vector<64x256xf32>
    %get3A_1128 = arith.constant 0 : index
    %get3A_1129 = arith.constant 15360 : index
    %get3A_1130 = vector.load %arg2[%get3A_1128, %get3A_1129] : memref<64x32000xf32, #tpu.memory_space<vmem>>, vector<64x256xf32>
    %add3A_1131 = arith.addf %add3A_1125, %get3A_1130 : vector<64x256xf32>
    %exp3A_1132 = math.exp %get3A_1130 : vector<64x256xf32>
    %add3A_1133 = arith.addf %add3A_1127, %exp3A_1132 : vector<64x256xf32>
    %get3A_1134 = arith.constant 0 : index
    %get3A_1135 = arith.constant 15616 : index
    %get3A_1136 = vector.load %arg2[%get3A_1134, %get3A_1135] : memref<64x32000xf32, #tpu.memory_space<vmem>>, vector<64x256xf32>
    %add3A_1137 = arith.addf %add3A_1131, %get3A_1136 : vector<64x256xf32>
    %exp3A_1138 = math.exp %get3A_1136 : vector<64x256xf32>
    %add3A_1139 = arith.addf %add3A_1133, %exp3A_1138 : vector<64x256xf32>
    %get3A_1140 = arith.constant 0 : index
    %get3A_1141 = arith.constant 15872 : index
    %get3A_1142 = vector.load %arg2[%get3A_1140, %get3A_1141] : memref<64x32000xf32, #tpu.memory_space<vmem>>, vector<64x256xf32>
    %add3A_1143 = arith.addf %add3A_1137, %get3A_1142 : vector<64x256xf32>
    %exp3A_1144 = math.exp %get3A_1142 : vector<64x256xf32>
    %add3A_1145 = arith.addf %add3A_1139, %exp3A_1144 : vector<64x256xf32>
    %get3A_1146 = arith.constant 0 : index
    %get3A_1147 = arith.constant 16128 : index
    %get3A_1148 = vector.load %arg2[%get3A_1146, %get3A_1147] : memref<64x32000xf32, #tpu.memory_space<vmem>>, vector<64x256xf32>
    %add3A_1149 = arith.addf %add3A_1143, %get3A_1148 : vector<64x256xf32>
    %exp3A_1150 = math.exp %get3A_1148 : vector<64x256xf32>
    %add3A_1151 = arith.addf %add3A_1145, %exp3A_1150 : vector<64x256xf32>
    %get3A_1152 = arith.constant 0 : index
    %get3A_1153 = arith.constant 16384 : index
    %get3A_1154 = vector.load %arg2[%get3A_1152, %get3A_1153] : memref<64x32000xf32, #tpu.memory_space<vmem>>, vector<64x256xf32>
    %add3A_1155 = arith.addf %add3A_1149, %get3A_1154 : vector<64x256xf32>
    %exp3A_1156 = math.exp %get3A_1154 : vector<64x256xf32>
    %add3A_1157 = arith.addf %add3A_1151, %exp3A_1156 : vector<64x256xf32>
    %get3A_1158 = arith.constant 0 : index
    %get3A_1159 = arith.constant 16640 : index
    %get3A_1160 = vector.load %arg2[%get3A_1158, %get3A_1159] : memref<64x32000xf32, #tpu.memory_space<vmem>>, vector<64x256xf32>
    %add3A_1161 = arith.addf %add3A_1155, %get3A_1160 : vector<64x256xf32>
    %exp3A_1162 = math.exp %get3A_1160 : vector<64x256xf32>
    %add3A_1163 = arith.addf %add3A_1157, %exp3A_1162 : vector<64x256xf32>
    %get3A_1164 = arith.constant 0 : index
    %get3A_1165 = arith.constant 16896 : index
    %get3A_1166 = vector.load %arg2[%get3A_1164, %get3A_1165] : memref<64x32000xf32, #tpu.memory_space<vmem>>, vector<64x256xf32>
    %add3A_1167 = arith.addf %add3A_1161, %get3A_1166 : vector<64x256xf32>
    %exp3A_1168 = math.exp %get3A_1166 : vector<64x256xf32>
    %add3A_1169 = arith.addf %add3A_1163, %exp3A_1168 : vector<64x256xf32>
    %get3A_1170 = arith.constant 0 : index
    %get3A_1171 = arith.constant 17152 : index
    %get3A_1172 = vector.load %arg2[%get3A_1170, %get3A_1171] : memref<64x32000xf32, #tpu.memory_space<vmem>>, vector<64x256xf32>
    %add3A_1173 = arith.addf %add3A_1167, %get3A_1172 : vector<64x256xf32>
    %exp3A_1174 = math.exp %get3A_1172 : vector<64x256xf32>
    %add3A_1175 = arith.addf %add3A_1169, %exp3A_1174 : vector<64x256xf32>
    %get3A_1176 = arith.constant 0 : index
    %get3A_1177 = arith.constant 17408 : index
    %get3A_1178 = vector.load %arg2[%get3A_1176, %get3A_1177] : memref<64x32000xf32, #tpu.memory_space<vmem>>, vector<64x256xf32>
    %add3A_1179 = arith.addf %add3A_1173, %get3A_1178 : vector<64x256xf32>
    %exp3A_1180 = math.exp %get3A_1178 : vector<64x256xf32>
    %add3A_1181 = arith.addf %add3A_1175, %exp3A_1180 : vector<64x256xf32>
    %get3A_1182 = arith.constant 0 : index
    %get3A_1183 = arith.constant 17664 : index
    %get3A_1184 = vector.load %arg2[%get3A_1182, %get3A_1183] : memref<64x32000xf32, #tpu.memory_space<vmem>>, vector<64x256xf32>
    %add3A_1185 = arith.addf %add3A_1179, %get3A_1184 : vector<64x256xf32>
    %exp3A_1186 = math.exp %get3A_1184 : vector<64x256xf32>
    %add3A_1187 = arith.addf %add3A_1181, %exp3A_1186 : vector<64x256xf32>
    %get3A_1188 = arith.constant 0 : index
    %get3A_1189 = arith.constant 17920 : index
    %get3A_1190 = vector.load %arg2[%get3A_1188, %get3A_1189] : memref<64x32000xf32, #tpu.memory_space<vmem>>, vector<64x256xf32>
    %add3A_1191 = arith.addf %add3A_1185, %get3A_1190 : vector<64x256xf32>
    %exp3A_1192 = math.exp %get3A_1190 : vector<64x256xf32>
    %add3A_1193 = arith.addf %add3A_1187, %exp3A_1192 : vector<64x256xf32>
    %get3A_1194 = arith.constant 0 : index
    %get3A_1195 = arith.constant 18176 : index
    %get3A_1196 = vector.load %arg2[%get3A_1194, %get3A_1195] : memref<64x32000xf32, #tpu.memory_space<vmem>>, vector<64x256xf32>
    %add3A_1197 = arith.addf %add3A_1191, %get3A_1196 : vector<64x256xf32>
    %exp3A_1198 = math.exp %get3A_1196 : vector<64x256xf32>
    %add3A_1199 = arith.addf %add3A_1193, %exp3A_1198 : vector<64x256xf32>
    %get3A_1200 = arith.constant 0 : index
    %get3A_1201 = arith.constant 18432 : index
    %get3A_1202 = vector.load %arg2[%get3A_1200, %get3A_1201] : memref<64x32000xf32, #tpu.memory_space<vmem>>, vector<64x256xf32>
    %add3A_1203 = arith.addf %add3A_1197, %get3A_1202 : vector<64x256xf32>
    %exp3A_1204 = math.exp %get3A_1202 : vector<64x256xf32>
    %add3A_1205 = arith.addf %add3A_1199, %exp3A_1204 : vector<64x256xf32>
    %get3A_1206 = arith.constant 0 : index
    %get3A_1207 = arith.constant 18688 : index
    %get3A_1208 = vector.load %arg2[%get3A_1206, %get3A_1207] : memref<64x32000xf32, #tpu.memory_space<vmem>>, vector<64x256xf32>
    %add3A_1209 = arith.addf %add3A_1203, %get3A_1208 : vector<64x256xf32>
    %exp3A_1210 = math.exp %get3A_1208 : vector<64x256xf32>
    %add3A_1211 = arith.addf %add3A_1205, %exp3A_1210 : vector<64x256xf32>
    %get3A_1212 = arith.constant 0 : index
    %get3A_1213 = arith.constant 18944 : index
    %get3A_1214 = vector.load %arg2[%get3A_1212, %get3A_1213] : memref<64x32000xf32, #tpu.memory_space<vmem>>, vector<64x256xf32>
    %add3A_1215 = arith.addf %add3A_1209, %get3A_1214 : vector<64x256xf32>
    %exp3A_1216 = math.exp %get3A_1214 : vector<64x256xf32>
    %add3A_1217 = arith.addf %add3A_1211, %exp3A_1216 : vector<64x256xf32>
    %get3A_1218 = arith.constant 0 : index
    %get3A_1219 = arith.constant 19200 : index
    %get3A_1220 = vector.load %arg2[%get3A_1218, %get3A_1219] : memref<64x32000xf32, #tpu.memory_space<vmem>>, vector<64x256xf32>
    %add3A_1221 = arith.addf %add3A_1215, %get3A_1220 : vector<64x256xf32>
    %exp3A_1222 = math.exp %get3A_1220 : vector<64x256xf32>
    %add3A_1223 = arith.addf %add3A_1217, %exp3A_1222 : vector<64x256xf32>
    %get3A_1224 = arith.constant 0 : index
    %get3A_1225 = arith.constant 19456 : index
    %get3A_1226 = vector.load %arg2[%get3A_1224, %get3A_1225] : memref<64x32000xf32, #tpu.memory_space<vmem>>, vector<64x256xf32>
    %add3A_1227 = arith.addf %add3A_1221, %get3A_1226 : vector<64x256xf32>
    %exp3A_1228 = math.exp %get3A_1226 : vector<64x256xf32>
    %add3A_1229 = arith.addf %add3A_1223, %exp3A_1228 : vector<64x256xf32>
    %get3A_1230 = arith.constant 0 : index
    %get3A_1231 = arith.constant 19712 : index
    %get3A_1232 = vector.load %arg2[%get3A_1230, %get3A_1231] : memref<64x32000xf32, #tpu.memory_space<vmem>>, vector<64x256xf32>
    %add3A_1233 = arith.addf %add3A_1227, %get3A_1232 : vector<64x256xf32>
    %exp3A_1234 = math.exp %get3A_1232 : vector<64x256xf32>
    %add3A_1235 = arith.addf %add3A_1229, %exp3A_1234 : vector<64x256xf32>
    %get3A_1236 = arith.constant 0 : index
    %get3A_1237 = arith.constant 19968 : index
    %get3A_1238 = vector.load %arg2[%get3A_1236, %get3A_1237] : memref<64x32000xf32, #tpu.memory_space<vmem>>, vector<64x256xf32>
    %add3A_1239 = arith.addf %add3A_1233, %get3A_1238 : vector<64x256xf32>
    %exp3A_1240 = math.exp %get3A_1238 : vector<64x256xf32>
    %add3A_1241 = arith.addf %add3A_1235, %exp3A_1240 : vector<64x256xf32>
    %get3A_1242 = arith.constant 0 : index
    %get3A_1243 = arith.constant 20224 : index
    %get3A_1244 = vector.load %arg2[%get3A_1242, %get3A_1243] : memref<64x32000xf32, #tpu.memory_space<vmem>>, vector<64x256xf32>
    %add3A_1245 = arith.addf %add3A_1239, %get3A_1244 : vector<64x256xf32>
    %exp3A_1246 = math.exp %get3A_1244 : vector<64x256xf32>
    %add3A_1247 = arith.addf %add3A_1241, %exp3A_1246 : vector<64x256xf32>
    %get3A_1248 = arith.constant 0 : index
    %get3A_1249 = arith.constant 20480 : index
    %get3A_1250 = vector.load %arg2[%get3A_1248, %get3A_1249] : memref<64x32000xf32, #tpu.memory_space<vmem>>, vector<64x256xf32>
    %add3A_1251 = arith.addf %add3A_1245, %get3A_1250 : vector<64x256xf32>
    %exp3A_1252 = math.exp %get3A_1250 : vector<64x256xf32>
    %add3A_1253 = arith.addf %add3A_1247, %exp3A_1252 : vector<64x256xf32>
    %get3A_1254 = arith.constant 0 : index
    %get3A_1255 = arith.constant 20736 : index
    %get3A_1256 = vector.load %arg2[%get3A_1254, %get3A_1255] : memref<64x32000xf32, #tpu.memory_space<vmem>>, vector<64x256xf32>
    %add3A_1257 = arith.addf %add3A_1251, %get3A_1256 : vector<64x256xf32>
    %exp3A_1258 = math.exp %get3A_1256 : vector<64x256xf32>
    %add3A_1259 = arith.addf %add3A_1253, %exp3A_1258 : vector<64x256xf32>
    %get3A_1260 = arith.constant 0 : index
    %get3A_1261 = arith.constant 20992 : index
    %get3A_1262 = vector.load %arg2[%get3A_1260, %get3A_1261] : memref<64x32000xf32, #tpu.memory_space<vmem>>, vector<64x256xf32>
    %add3A_1263 = arith.addf %add3A_1257, %get3A_1262 : vector<64x256xf32>
    %exp3A_1264 = math.exp %get3A_1262 : vector<64x256xf32>
    %add3A_1265 = arith.addf %add3A_1259, %exp3A_1264 : vector<64x256xf32>
    %get3A_1266 = arith.constant 0 : index
    %get3A_1267 = arith.constant 21248 : index
    %get3A_1268 = vector.load %arg2[%get3A_1266, %get3A_1267] : memref<64x32000xf32, #tpu.memory_space<vmem>>, vector<64x256xf32>
    %add3A_1269 = arith.addf %add3A_1263, %get3A_1268 : vector<64x256xf32>
    %exp3A_1270 = math.exp %get3A_1268 : vector<64x256xf32>
    %add3A_1271 = arith.addf %add3A_1265, %exp3A_1270 : vector<64x256xf32>
    %get3A_1272 = arith.constant 0 : index
    %get3A_1273 = arith.constant 21504 : index
    %get3A_1274 = vector.load %arg2[%get3A_1272, %get3A_1273] : memref<64x32000xf32, #tpu.memory_space<vmem>>, vector<64x256xf32>
    %add3A_1275 = arith.addf %add3A_1269, %get3A_1274 : vector<64x256xf32>
    %exp3A_1276 = math.exp %get3A_1274 : vector<64x256xf32>
    %add3A_1277 = arith.addf %add3A_1271, %exp3A_1276 : vector<64x256xf32>
    %get3A_1278 = arith.constant 0 : index
    %get3A_1279 = arith.constant 21760 : index
    %get3A_1280 = vector.load %arg2[%get3A_1278, %get3A_1279] : memref<64x32000xf32, #tpu.memory_space<vmem>>, vector<64x256xf32>
    %add3A_1281 = arith.addf %add3A_1275, %get3A_1280 : vector<64x256xf32>
    %exp3A_1282 = math.exp %get3A_1280 : vector<64x256xf32>
    %add3A_1283 = arith.addf %add3A_1277, %exp3A_1282 : vector<64x256xf32>
    %get3A_1284 = arith.constant 0 : index
    %get3A_1285 = arith.constant 22016 : index
    %get3A_1286 = vector.load %arg2[%get3A_1284, %get3A_1285] : memref<64x32000xf32, #tpu.memory_space<vmem>>, vector<64x256xf32>
    %add3A_1287 = arith.addf %add3A_1281, %get3A_1286 : vector<64x256xf32>
    %exp3A_1288 = math.exp %get3A_1286 : vector<64x256xf32>
    %add3A_1289 = arith.addf %add3A_1283, %exp3A_1288 : vector<64x256xf32>
    %get3A_1290 = arith.constant 0 : index
    %get3A_1291 = arith.constant 22272 : index
    %get3A_1292 = vector.load %arg2[%get3A_1290, %get3A_1291] : memref<64x32000xf32, #tpu.memory_space<vmem>>, vector<64x256xf32>
    %add3A_1293 = arith.addf %add3A_1287, %get3A_1292 : vector<64x256xf32>
    %exp3A_1294 = math.exp %get3A_1292 : vector<64x256xf32>
    %add3A_1295 = arith.addf %add3A_1289, %exp3A_1294 : vector<64x256xf32>
    %get3A_1296 = arith.constant 0 : index
    %get3A_1297 = arith.constant 22528 : index
    %get3A_1298 = vector.load %arg2[%get3A_1296, %get3A_1297] : memref<64x32000xf32, #tpu.memory_space<vmem>>, vector<64x256xf32>
    %add3A_1299 = arith.addf %add3A_1293, %get3A_1298 : vector<64x256xf32>
    %exp3A_1300 = math.exp %get3A_1298 : vector<64x256xf32>
    %add3A_1301 = arith.addf %add3A_1295, %exp3A_1300 : vector<64x256xf32>
    %get3A_1302 = arith.constant 0 : index
    %get3A_1303 = arith.constant 22784 : index
    %get3A_1304 = vector.load %arg2[%get3A_1302, %get3A_1303] : memref<64x32000xf32, #tpu.memory_space<vmem>>, vector<64x256xf32>
    %add3A_1305 = arith.addf %add3A_1299, %get3A_1304 : vector<64x256xf32>
    %exp3A_1306 = math.exp %get3A_1304 : vector<64x256xf32>
    %add3A_1307 = arith.addf %add3A_1301, %exp3A_1306 : vector<64x256xf32>
    %get3A_1308 = arith.constant 0 : index
    %get3A_1309 = arith.constant 23040 : index
    %get3A_1310 = vector.load %arg2[%get3A_1308, %get3A_1309] : memref<64x32000xf32, #tpu.memory_space<vmem>>, vector<64x256xf32>
    %add3A_1311 = arith.addf %add3A_1305, %get3A_1310 : vector<64x256xf32>
    %exp3A_1312 = math.exp %get3A_1310 : vector<64x256xf32>
    %add3A_1313 = arith.addf %add3A_1307, %exp3A_1312 : vector<64x256xf32>
    %get3A_1314 = arith.constant 0 : index
    %get3A_1315 = arith.constant 23296 : index
    %get3A_1316 = vector.load %arg2[%get3A_1314, %get3A_1315] : memref<64x32000xf32, #tpu.memory_space<vmem>>, vector<64x256xf32>
    %add3A_1317 = arith.addf %add3A_1311, %get3A_1316 : vector<64x256xf32>
    %exp3A_1318 = math.exp %get3A_1316 : vector<64x256xf32>
    %add3A_1319 = arith.addf %add3A_1313, %exp3A_1318 : vector<64x256xf32>
    %get3A_1320 = arith.constant 0 : index
    %get3A_1321 = arith.constant 23552 : index
    %get3A_1322 = vector.load %arg2[%get3A_1320, %get3A_1321] : memref<64x32000xf32, #tpu.memory_space<vmem>>, vector<64x256xf32>
    %add3A_1323 = arith.addf %add3A_1317, %get3A_1322 : vector<64x256xf32>
    %exp3A_1324 = math.exp %get3A_1322 : vector<64x256xf32>
    %add3A_1325 = arith.addf %add3A_1319, %exp3A_1324 : vector<64x256xf32>
    %get3A_1326 = arith.constant 0 : index
    %get3A_1327 = arith.constant 23808 : index
    %get3A_1328 = vector.load %arg2[%get3A_1326, %get3A_1327] : memref<64x32000xf32, #tpu.memory_space<vmem>>, vector<64x256xf32>
    %add3A_1329 = arith.addf %add3A_1323, %get3A_1328 : vector<64x256xf32>
    %exp3A_1330 = math.exp %get3A_1328 : vector<64x256xf32>
    %add3A_1331 = arith.addf %add3A_1325, %exp3A_1330 : vector<64x256xf32>
    %get3A_1332 = arith.constant 0 : index
    %get3A_1333 = arith.constant 24064 : index
    %get3A_1334 = vector.load %arg2[%get3A_1332, %get3A_1333] : memref<64x32000xf32, #tpu.memory_space<vmem>>, vector<64x256xf32>
    %add3A_1335 = arith.addf %add3A_1329, %get3A_1334 : vector<64x256xf32>
    %exp3A_1336 = math.exp %get3A_1334 : vector<64x256xf32>
    %add3A_1337 = arith.addf %add3A_1331, %exp3A_1336 : vector<64x256xf32>
    %get3A_1338 = arith.constant 0 : index
    %get3A_1339 = arith.constant 24320 : index
    %get3A_1340 = vector.load %arg2[%get3A_1338, %get3A_1339] : memref<64x32000xf32, #tpu.memory_space<vmem>>, vector<64x256xf32>
    %add3A_1341 = arith.addf %add3A_1335, %get3A_1340 : vector<64x256xf32>
    %exp3A_1342 = math.exp %get3A_1340 : vector<64x256xf32>
    %add3A_1343 = arith.addf %add3A_1337, %exp3A_1342 : vector<64x256xf32>
    %get3A_1344 = arith.constant 0 : index
    %get3A_1345 = arith.constant 24576 : index
    %get3A_1346 = vector.load %arg2[%get3A_1344, %get3A_1345] : memref<64x32000xf32, #tpu.memory_space<vmem>>, vector<64x256xf32>
    %add3A_1347 = arith.addf %add3A_1341, %get3A_1346 : vector<64x256xf32>
    %exp3A_1348 = math.exp %get3A_1346 : vector<64x256xf32>
    %add3A_1349 = arith.addf %add3A_1343, %exp3A_1348 : vector<64x256xf32>
    %get3A_1350 = arith.constant 0 : index
    %get3A_1351 = arith.constant 24832 : index
    %get3A_1352 = vector.load %arg2[%get3A_1350, %get3A_1351] : memref<64x32000xf32, #tpu.memory_space<vmem>>, vector<64x256xf32>
    %add3A_1353 = arith.addf %add3A_1347, %get3A_1352 : vector<64x256xf32>
    %exp3A_1354 = math.exp %get3A_1352 : vector<64x256xf32>
    %add3A_1355 = arith.addf %add3A_1349, %exp3A_1354 : vector<64x256xf32>
    %get3A_1356 = arith.constant 0 : index
    %get3A_1357 = arith.constant 25088 : index
    %get3A_1358 = vector.load %arg2[%get3A_1356, %get3A_1357] : memref<64x32000xf32, #tpu.memory_space<vmem>>, vector<64x256xf32>
    %add3A_1359 = arith.addf %add3A_1353, %get3A_1358 : vector<64x256xf32>
    %exp3A_1360 = math.exp %get3A_1358 : vector<64x256xf32>
    %add3A_1361 = arith.addf %add3A_1355, %exp3A_1360 : vector<64x256xf32>
    %get3A_1362 = arith.constant 0 : index
    %get3A_1363 = arith.constant 25344 : index
    %get3A_1364 = vector.load %arg2[%get3A_1362, %get3A_1363] : memref<64x32000xf32, #tpu.memory_space<vmem>>, vector<64x256xf32>
    %add3A_1365 = arith.addf %add3A_1359, %get3A_1364 : vector<64x256xf32>
    %exp3A_1366 = math.exp %get3A_1364 : vector<64x256xf32>
    %add3A_1367 = arith.addf %add3A_1361, %exp3A_1366 : vector<64x256xf32>
    %get3A_1368 = arith.constant 0 : index
    %get3A_1369 = arith.constant 25600 : index
    %get3A_1370 = vector.load %arg2[%get3A_1368, %get3A_1369] : memref<64x32000xf32, #tpu.memory_space<vmem>>, vector<64x256xf32>
    %add3A_1371 = arith.addf %add3A_1365, %get3A_1370 : vector<64x256xf32>
    %exp3A_1372 = math.exp %get3A_1370 : vector<64x256xf32>
    %add3A_1373 = arith.addf %add3A_1367, %exp3A_1372 : vector<64x256xf32>
    %get3A_1374 = arith.constant 0 : index
    %get3A_1375 = arith.constant 25856 : index
    %get3A_1376 = vector.load %arg2[%get3A_1374, %get3A_1375] : memref<64x32000xf32, #tpu.memory_space<vmem>>, vector<64x256xf32>
    %add3A_1377 = arith.addf %add3A_1371, %get3A_1376 : vector<64x256xf32>
    %exp3A_1378 = math.exp %get3A_1376 : vector<64x256xf32>
    %add3A_1379 = arith.addf %add3A_1373, %exp3A_1378 : vector<64x256xf32>
    %get3A_1380 = arith.constant 0 : index
    %get3A_1381 = arith.constant 26112 : index
    %get3A_1382 = vector.load %arg2[%get3A_1380, %get3A_1381] : memref<64x32000xf32, #tpu.memory_space<vmem>>, vector<64x256xf32>
    %add3A_1383 = arith.addf %add3A_1377, %get3A_1382 : vector<64x256xf32>
    %exp3A_1384 = math.exp %get3A_1382 : vector<64x256xf32>
    %add3A_1385 = arith.addf %add3A_1379, %exp3A_1384 : vector<64x256xf32>
    %get3A_1386 = arith.constant 0 : index
    %get3A_1387 = arith.constant 26368 : index
    %get3A_1388 = vector.load %arg2[%get3A_1386, %get3A_1387] : memref<64x32000xf32, #tpu.memory_space<vmem>>, vector<64x256xf32>
    %add3A_1389 = arith.addf %add3A_1383, %get3A_1388 : vector<64x256xf32>
    %exp3A_1390 = math.exp %get3A_1388 : vector<64x256xf32>
    %add3A_1391 = arith.addf %add3A_1385, %exp3A_1390 : vector<64x256xf32>
    %get3A_1392 = arith.constant 0 : index
    %get3A_1393 = arith.constant 26624 : index
    %get3A_1394 = vector.load %arg2[%get3A_1392, %get3A_1393] : memref<64x32000xf32, #tpu.memory_space<vmem>>, vector<64x256xf32>
    %add3A_1395 = arith.addf %add3A_1389, %get3A_1394 : vector<64x256xf32>
    %exp3A_1396 = math.exp %get3A_1394 : vector<64x256xf32>
    %add3A_1397 = arith.addf %add3A_1391, %exp3A_1396 : vector<64x256xf32>
    %get3A_1398 = arith.constant 0 : index
    %get3A_1399 = arith.constant 26880 : index
    %get3A_1400 = vector.load %arg2[%get3A_1398, %get3A_1399] : memref<64x32000xf32, #tpu.memory_space<vmem>>, vector<64x256xf32>
    %add3A_1401 = arith.addf %add3A_1395, %get3A_1400 : vector<64x256xf32>
    %exp3A_1402 = math.exp %get3A_1400 : vector<64x256xf32>
    %add3A_1403 = arith.addf %add3A_1397, %exp3A_1402 : vector<64x256xf32>
    %get3A_1404 = arith.constant 0 : index
    %get3A_1405 = arith.constant 27136 : index
    %get3A_1406 = vector.load %arg2[%get3A_1404, %get3A_1405] : memref<64x32000xf32, #tpu.memory_space<vmem>>, vector<64x256xf32>
    %add3A_1407 = arith.addf %add3A_1401, %get3A_1406 : vector<64x256xf32>
    %exp3A_1408 = math.exp %get3A_1406 : vector<64x256xf32>
    %add3A_1409 = arith.addf %add3A_1403, %exp3A_1408 : vector<64x256xf32>
    %get3A_1410 = arith.constant 0 : index
    %get3A_1411 = arith.constant 27392 : index
    %get3A_1412 = vector.load %arg2[%get3A_1410, %get3A_1411] : memref<64x32000xf32, #tpu.memory_space<vmem>>, vector<64x256xf32>
    %add3A_1413 = arith.addf %add3A_1407, %get3A_1412 : vector<64x256xf32>
    %exp3A_1414 = math.exp %get3A_1412 : vector<64x256xf32>
    %add3A_1415 = arith.addf %add3A_1409, %exp3A_1414 : vector<64x256xf32>
    %get3A_1416 = arith.constant 0 : index
    %get3A_1417 = arith.constant 27648 : index
    %get3A_1418 = vector.load %arg2[%get3A_1416, %get3A_1417] : memref<64x32000xf32, #tpu.memory_space<vmem>>, vector<64x256xf32>
    %add3A_1419 = arith.addf %add3A_1413, %get3A_1418 : vector<64x256xf32>
    %exp3A_1420 = math.exp %get3A_1418 : vector<64x256xf32>
    %add3A_1421 = arith.addf %add3A_1415, %exp3A_1420 : vector<64x256xf32>
    %get3A_1422 = arith.constant 0 : index
    %get3A_1423 = arith.constant 27904 : index
    %get3A_1424 = vector.load %arg2[%get3A_1422, %get3A_1423] : memref<64x32000xf32, #tpu.memory_space<vmem>>, vector<64x256xf32>
    %add3A_1425 = arith.addf %add3A_1419, %get3A_1424 : vector<64x256xf32>
    %exp3A_1426 = math.exp %get3A_1424 : vector<64x256xf32>
    %add3A_1427 = arith.addf %add3A_1421, %exp3A_1426 : vector<64x256xf32>
    %get3A_1428 = arith.constant 0 : index
    %get3A_1429 = arith.constant 28160 : index
    %get3A_1430 = vector.load %arg2[%get3A_1428, %get3A_1429] : memref<64x32000xf32, #tpu.memory_space<vmem>>, vector<64x256xf32>
    %add3A_1431 = arith.addf %add3A_1425, %get3A_1430 : vector<64x256xf32>
    %exp3A_1432 = math.exp %get3A_1430 : vector<64x256xf32>
    %add3A_1433 = arith.addf %add3A_1427, %exp3A_1432 : vector<64x256xf32>
    %get3A_1434 = arith.constant 0 : index
    %get3A_1435 = arith.constant 28416 : index
    %get3A_1436 = vector.load %arg2[%get3A_1434, %get3A_1435] : memref<64x32000xf32, #tpu.memory_space<vmem>>, vector<64x256xf32>
    %add3A_1437 = arith.addf %add3A_1431, %get3A_1436 : vector<64x256xf32>
    %exp3A_1438 = math.exp %get3A_1436 : vector<64x256xf32>
    %add3A_1439 = arith.addf %add3A_1433, %exp3A_1438 : vector<64x256xf32>
    %get3A_1440 = arith.constant 0 : index
    %get3A_1441 = arith.constant 28672 : index
    %get3A_1442 = vector.load %arg2[%get3A_1440, %get3A_1441] : memref<64x32000xf32, #tpu.memory_space<vmem>>, vector<64x256xf32>
    %add3A_1443 = arith.addf %add3A_1437, %get3A_1442 : vector<64x256xf32>
    %exp3A_1444 = math.exp %get3A_1442 : vector<64x256xf32>
    %add3A_1445 = arith.addf %add3A_1439, %exp3A_1444 : vector<64x256xf32>
    %get3A_1446 = arith.constant 0 : index
    %get3A_1447 = arith.constant 28928 : index
    %get3A_1448 = vector.load %arg2[%get3A_1446, %get3A_1447] : memref<64x32000xf32, #tpu.memory_space<vmem>>, vector<64x256xf32>
    %add3A_1449 = arith.addf %add3A_1443, %get3A_1448 : vector<64x256xf32>
    %exp3A_1450 = math.exp %get3A_1448 : vector<64x256xf32>
    %add3A_1451 = arith.addf %add3A_1445, %exp3A_1450 : vector<64x256xf32>
    %get3A_1452 = arith.constant 0 : index
    %get3A_1453 = arith.constant 29184 : index
    %get3A_1454 = vector.load %arg2[%get3A_1452, %get3A_1453] : memref<64x32000xf32, #tpu.memory_space<vmem>>, vector<64x256xf32>
    %add3A_1455 = arith.addf %add3A_1449, %get3A_1454 : vector<64x256xf32>
    %exp3A_1456 = math.exp %get3A_1454 : vector<64x256xf32>
    %add3A_1457 = arith.addf %add3A_1451, %exp3A_1456 : vector<64x256xf32>
    %get3A_1458 = arith.constant 0 : index
    %get3A_1459 = arith.constant 29440 : index
    %get3A_1460 = vector.load %arg2[%get3A_1458, %get3A_1459] : memref<64x32000xf32, #tpu.memory_space<vmem>>, vector<64x256xf32>
    %add3A_1461 = arith.addf %add3A_1455, %get3A_1460 : vector<64x256xf32>
    %exp3A_1462 = math.exp %get3A_1460 : vector<64x256xf32>
    %add3A_1463 = arith.addf %add3A_1457, %exp3A_1462 : vector<64x256xf32>
    %get3A_1464 = arith.constant 0 : index
    %get3A_1465 = arith.constant 29696 : index
    %get3A_1466 = vector.load %arg2[%get3A_1464, %get3A_1465] : memref<64x32000xf32, #tpu.memory_space<vmem>>, vector<64x256xf32>
    %add3A_1467 = arith.addf %add3A_1461, %get3A_1466 : vector<64x256xf32>
    %exp3A_1468 = math.exp %get3A_1466 : vector<64x256xf32>
    %add3A_1469 = arith.addf %add3A_1463, %exp3A_1468 : vector<64x256xf32>
    %get3A_1470 = arith.constant 0 : index
    %get3A_1471 = arith.constant 29952 : index
    %get3A_1472 = vector.load %arg2[%get3A_1470, %get3A_1471] : memref<64x32000xf32, #tpu.memory_space<vmem>>, vector<64x256xf32>
    %add3A_1473 = arith.addf %add3A_1467, %get3A_1472 : vector<64x256xf32>
    %exp3A_1474 = math.exp %get3A_1472 : vector<64x256xf32>
    %add3A_1475 = arith.addf %add3A_1469, %exp3A_1474 : vector<64x256xf32>
    %get3A_1476 = arith.constant 0 : index
    %get3A_1477 = arith.constant 30208 : index
    %get3A_1478 = vector.load %arg2[%get3A_1476, %get3A_1477] : memref<64x32000xf32, #tpu.memory_space<vmem>>, vector<64x256xf32>
    %add3A_1479 = arith.addf %add3A_1473, %get3A_1478 : vector<64x256xf32>
    %exp3A_1480 = math.exp %get3A_1478 : vector<64x256xf32>
    %add3A_1481 = arith.addf %add3A_1475, %exp3A_1480 : vector<64x256xf32>
    %get3A_1482 = arith.constant 0 : index
    %get3A_1483 = arith.constant 30464 : index
    %get3A_1484 = vector.load %arg2[%get3A_1482, %get3A_1483] : memref<64x32000xf32, #tpu.memory_space<vmem>>, vector<64x256xf32>
    %add3A_1485 = arith.addf %add3A_1479, %get3A_1484 : vector<64x256xf32>
    %exp3A_1486 = math.exp %get3A_1484 : vector<64x256xf32>
    %add3A_1487 = arith.addf %add3A_1481, %exp3A_1486 : vector<64x256xf32>
    %get3A_1488 = arith.constant 0 : index
    %get3A_1489 = arith.constant 30720 : index
    %get3A_1490 = vector.load %arg2[%get3A_1488, %get3A_1489] : memref<64x32000xf32, #tpu.memory_space<vmem>>, vector<64x256xf32>
    %add3A_1491 = arith.addf %add3A_1485, %get3A_1490 : vector<64x256xf32>
    %exp3A_1492 = math.exp %get3A_1490 : vector<64x256xf32>
    %add3A_1493 = arith.addf %add3A_1487, %exp3A_1492 : vector<64x256xf32>
    %get3A_1494 = arith.constant 0 : index
    %get3A_1495 = arith.constant 30976 : index
    %get3A_1496 = vector.load %arg2[%get3A_1494, %get3A_1495] : memref<64x32000xf32, #tpu.memory_space<vmem>>, vector<64x256xf32>
    %add3A_1497 = arith.addf %add3A_1491, %get3A_1496 : vector<64x256xf32>
    %exp3A_1498 = math.exp %get3A_1496 : vector<64x256xf32>
    %add3A_1499 = arith.addf %add3A_1493, %exp3A_1498 : vector<64x256xf32>
    %get3A_1500 = arith.constant 0 : index
    %get3A_1501 = arith.constant 31232 : index
    %get3A_1502 = vector.load %arg2[%get3A_1500, %get3A_1501] : memref<64x32000xf32, #tpu.memory_space<vmem>>, vector<64x256xf32>
    %add3A_1503 = arith.addf %add3A_1497, %get3A_1502 : vector<64x256xf32>
    %exp3A_1504 = math.exp %get3A_1502 : vector<64x256xf32>
    %add3A_1505 = arith.addf %add3A_1499, %exp3A_1504 : vector<64x256xf32>
    %get3A_1506 = arith.constant 0 : index
    %get3A_1507 = arith.constant 31488 : index
    %get3A_1508 = vector.load %arg2[%get3A_1506, %get3A_1507] : memref<64x32000xf32, #tpu.memory_space<vmem>>, vector<64x256xf32>
    %add3A_1509 = arith.addf %add3A_1503, %get3A_1508 : vector<64x256xf32>
    %exp3A_1510 = math.exp %get3A_1508 : vector<64x256xf32>
    %add3A_1511 = arith.addf %add3A_1505, %exp3A_1510 : vector<64x256xf32>
    %get3A_1512 = arith.constant 0 : index
    %get3A_1513 = arith.constant 31744 : index
    %get3A_1514 = vector.load %arg2[%get3A_1512, %get3A_1513] : memref<64x32000xf32, #tpu.memory_space<vmem>>, vector<64x256xf32>
    %add3A_1515 = arith.addf %add3A_1509, %get3A_1514 : vector<64x256xf32>
    %exp3A_1516 = math.exp %get3A_1514 : vector<64x256xf32>
    %add3A_1517 = arith.addf %add3A_1511, %exp3A_1516 : vector<64x256xf32>
    %reduce_sum3A_1518 = arith.constant dense<0.000000e+00> : vector<64xf32>
    %reduce_sum3A_1519 = vector.multi_reduction <add>, %add3A_1517, %reduce_sum3A_1518 [1] : vector<64x256xf32> to vector<64xf32>
    %broadcast_in_dim3A_1520 = vector.shape_cast %reduce_sum3A_1519 : vector<64xf32> to vector<64x1xf32>
    %log3A_1521 = math.log %broadcast_in_dim3A_1520 : vector<64x1xf32>
    %reduce_sum3A_1522 = arith.constant dense<0.000000e+00> : vector<64xf32>
    %reduce_sum3A_1523 = vector.multi_reduction <add>, %add3A_1515, %reduce_sum3A_1522 [1] : vector<64x256xf32> to vector<64xf32>
    %broadcast_in_dim3A_1524 = vector.shape_cast %reduce_sum3A_1523 : vector<64xf32> to vector<64x1xf32>
    %mul3A_1525 = arith.constant 3.12509769E-6 : f32
    %mul3A_1526 = vector.broadcast %mul3A_1525 : f32 to vector<64x1xf32>
    %mul3A_1527 = arith.mulf %mul3A_1526, %broadcast_in_dim3A_1524 : vector<64x1xf32>
    %sub3A_1528 = arith.subf %log3A_1521, %mul3A_1527 : vector<64x1xf32>
    %reduce_sum3A_1529 = vector.shape_cast %sub3A_1528 : vector<64x1xf32> to vector<1x64x1xf32>
    %reduce_sum3A_1530 = arith.constant dense<0.000000e+00> : vector<1xf32>
    %reduce_sum3A_1531 = vector.multi_reduction <add>, %reduce_sum3A_1529, %reduce_sum3A_1530 [1, 2] : vector<1x64x1xf32> to vector<1xf32>
    %reduce_sum3A_1532 = vector.shape_cast %reduce_sum3A_1531 : vector<1xf32> to vector<1x1x1xf32>
    %reduce_sum3A_1533 = vector.extract %reduce_sum3A_1532[0, 0, 0] : f32 from vector<1x1x1xf32>
    %add3A_1534 = arith.addf %add3A_763, %reduce_sum3A_1533 : f32
    %eq3A = arith.constant 0 : i32
    %eq3A_1535 = arith.cmpi eq, %arg0, %eq3A : i32
    %convert_element_type3A = arith.extui %eq3A_1535 : i1 to i32
    %cond3A = arith.constant 0 : i32
    %cond3A_1536 = arith.cmpi ne, %convert_element_type3A, %cond3A : i32
    scf.if %cond3A_1536 {
      %get3A_1546 = arith.constant 0 : index
      %get3A_1547 = arith.constant 0 : index
      %get3A_1548 = vector.load %arg3[%get3A_1546, %get3A_1547] : memref<4x128xf32, #tpu.memory_space<vmem>>, vector<4x128xf32>
      %reduce_sum3A_1549 = vector.shape_cast %get3A_1548 : vector<4x128xf32> to vector<1x4x128xf32>
      %reduce_sum3A_1550 = arith.constant dense<0.000000e+00> : vector<1xf32>
      %reduce_sum3A_1551 = vector.multi_reduction <add>, %reduce_sum3A_1549, %reduce_sum3A_1550 [1, 2] : vector<1x4x128xf32> to vector<1xf32>
      %reduce_sum3A_1552 = vector.shape_cast %reduce_sum3A_1551 : vector<1xf32> to vector<1x1x1xf32>
      %reduce_sum3A_1553 = vector.extract %reduce_sum3A_1552[0, 0, 0] : f32 from vector<1x1x1xf32>
      %mul3A_1554 = arith.constant -0.899996876 : f32
      %mul3A_1555 = arith.mulf %mul3A_1554, %reduce_sum3A_1553 : f32
      %swap3A_1556 = arith.constant 0 : index
      %swap3A_1557 = memref.load %arg5[%swap3A_1556] : memref<1xf32, #tpu.memory_space<smem>>
      memref.store %mul3A_1555, %arg5[%swap3A_1556] : memref<1xf32, #tpu.memory_space<smem>>
    } else {
    }
    %get3A_1537 = arith.constant 0 : index
    %get3A_1538 = memref.load %arg5[%get3A_1537] : memref<1xf32, #tpu.memory_space<smem>>
    %add3A_1539 = arith.addf %get3A_1538, %add3A_1534 : f32
    %swap3A = arith.constant 0 : index
    %swap3A_1540 = memref.load %arg5[%swap3A] : memref<1xf32, #tpu.memory_space<smem>>
    memref.store %add3A_1539, %arg5[%swap3A] : memref<1xf32, #tpu.memory_space<smem>>
    %eq3A_1541 = arith.constant 31 : i32
    %eq3A_1542 = arith.cmpi eq, %arg0, %eq3A_1541 : i32
    %convert_element_type3A_1543 = arith.extui %eq3A_1542 : i1 to i32
    %cond3A_1544 = arith.constant 0 : i32
    %cond3A_1545 = arith.cmpi ne, %convert_element_type3A_1543, %cond3A_1544 : i32
    scf.if %cond3A_1545 {
      %get3A_1546 = arith.constant 0 : index
      %get3A_1547 = memref.load %arg5[%get3A_1546] : memref<1xf32, #tpu.memory_space<smem>>
      %mul3A_1548 = arith.constant 2.44140625E-4 : f32
      %mul3A_1549 = arith.mulf %get3A_1547, %mul3A_1548 : f32
      %swap3A_1550 = arith.constant 0 : index
      %swap3A_1551 = arith.constant 0 : index
      %swap3A_1552 = memref.load %arg4[%swap3A_1550, %swap3A_1551] : memref<1x1xf32, #tpu.memory_space<smem>>
      memref.store %mul3A_1549, %arg4[%swap3A_1550, %swap3A_1551] : memref<1x1xf32, #tpu.memory_space<smem>>
    } else {
    }
    return
  }
  func.func @transform_0(%arg0: i32) -> (i32, i32) {
    %add3A = arith.constant 0 : i32
    %add3A_0 = arith.addi %add3A, %arg0 : i32
    %c0_i32 = arith.constant 0 : i32
    %c0_i32_1 = arith.constant 0 : i32
    return %add3A_0, %c0_i32 : i32, i32
  }
  func.func @transform_1(%arg0: i32) -> (i32, i32) {
    %add3A = arith.constant 32 : i32
    %add3A_0 = arith.addi %add3A, %arg0 : i32
    %c0_i32 = arith.constant 0 : i32
    %c0_i32_1 = arith.constant 0 : i32
    return %add3A_0, %c0_i32 : i32, i32
  }
  func.func @transform_2(%arg0: i32) -> (i32, i32) {
    %c0_i32 = arith.constant 0 : i32
    %c0_i32_0 = arith.constant 0 : i32
    %c0_i32_1 = arith.constant 0 : i32
    return %c0_i32, %c0_i32_0 : i32, i32
  }
  func.func @transform_3(%arg0: i32) -> (i32, i32) {
    %c0_i32 = arith.constant 0 : i32
    %c0_i32_0 = arith.constant 0 : i32
    %c0_i32_1 = arith.constant 0 : i32
    return %c0_i32, %c0_i32_0 : i32, i32
  }
}

</mosaic_0001>

<sc_bundles>
// kernel: kernel.4.cloned.1.call-start
scs
__scs_entry_jumppad:
0x0: {  	(pc) =	sbr.rel $0x88, $3  }
0x1: {  	(tag) =	ssettag $0x0;
	lr =	simm.s32 $0x1  }
0x2: {  	[smem:$0x3F9F] =	sst lr;
	_ =	strace $0xD0000000  }
0x3: {  	_ = 	snop  }
0x4: {  	_ = 	snop  }
0x5: {  	_ = 	snop  }
0x6: {  	_ = 	snop  }
0x7: {  	_ = 	snop  }
__scs_overlays_trampoline_lowered:
0x8: {  	[smem:$0x3FAE] =	sst s0  }
0x9: {  	[smem:$0x3FAF] =	sst s1  }
0xa: {  	[smem:$0x3FB0] =	sst s2  }
0xb: {  	[smem:$0x3FB1] =	sst s3  }
0xc: {  	[smem:$0x3FB2] =	sst s4  }
0xd: {  	[smem:$0x3FB3] =	sst s5  }
0xe: {  	[smem:$0x3FB4] =	sst s6  }
0xf: {  	[smem:$0x3FB5] =	sst s7  }
0x10: {  	[smem:$0x3FB6] =	sst s8  }
0x11: {  	[smem:$0x3FB7] =	sst s9;
	s0 =	simm.s32 @!p0 $0x0  }
0x12: {  	s1 =	sld [smem:$0x3F9D];
	s0 =	simm.s32 @p0 $0x1  }
0x13: {  	[smem:$0x3FB8] =	sst s0;
	s0 =	simm.s32 @!p1 $0x0  }
0x14: {  	s2 =	sld [smem:$0x3F9C];
	s0 =	simm.s32 @p1 $0x1  }
0x15: {  	[smem:$0x3FB9] =	sst s0;
	s0 =	simm.s32 @!p2 $0x0  }
0x16: {  	s3 =	sld [smem:$0x3FDB];
	s0 =	simm.s32 @p2 $0x1  }
0x17: {  	s4 =	simm.s32 $0x1BF5;
	[smem:$0x3FBB] =	sst s0  }
0x18: {  	s0 =	sld [smem:$0x3F9E];
	_ =	swait.ge [sflag:s4], $0x0  }
0x19: {  	s7 =	sld [smem:$0x3F9F]  }
0x1a: {  	s8 =	sadd.s32 $0xFFFFE003, lr  }
0x1b: {  	s9 =	sadd.s32 $0xFFFFFEF7, lr;
	s5 =	simm.s32 $0xFFFFFFFF;
	p2 =	slt.u32 s8, $0xFFFFF086  }
0x1c: {  	p1 =	slt.u32 s9, $0xF7A;
	s5 =	simm.s32 @!p2 $0x0  }
0x1d: {  	s5 =	simm.s32 @p1 $0x1;
	p0 =	seq.s32 s7, s2  }
0x1e: {  	s7 =	smul.u32 @!p0 $0xF7A, s2;
	p2 =	seq.s32 @!p0 s5, $0x0  }
0x1f: {  	s9 =	smul.u32 $0xF7A, s1;
	s8 =	simm.s32 @!p0 $0x1BF5;
	p2 =	por !p2, p0  }
0x20: {  	[sflag:s8] =	ssyncset.s32 @!p0 $0xFFFFF086;
	s6 =	sadd.s32 @!p0 s3, s7;
	s7 =	simm.s32 @!p0 $0x108  }
0x21: {  	s3 =	sadd.s32 s3, s9;
	s6 =	sadd.s32 @!p0 $0x88, s6;
	s7 =	simm.s32 @p2 $0x1082  }
0x22: {  	[simem:s7], [sflag:s8] =	dma.local @!p0 [hbm:s6], $0xF7A  }
0x23: {  	s9 =	sor.u32 $0xD0000000, s2;
	s6 =	simm.s32 $0x108;
	_ =	swait.ge @!p0 [sflag:s8], $0x0  }
0x24: {  	s3 =	sadd.s32 $0x88, s3;
	s6 =	simm.s32 @!p1 $0x1082;
	[sflag:s4] =	ssyncset.s32 $0xFFFFF086  }
0x25: {  	[simem:s6], [sflag:s4] =	dma.local [hbm:s3], $0xF7A  }
0x26: {  	[smem:$0x3F9F] =	sst s1;
	(tag) =	ssettag s2;
	_ =	strace s9  }
0x27: {  	s1 =	sld [smem:$0x3FAF]  }
0x28: {  	s2 =	sld [smem:$0x3FB0]  }
0x29: {  	s4 =	sld [smem:$0x3FB2]  }
0x2a: {  	p0 =	seq.s32 s5, $0x0;
	s5 =	sld [smem:$0x3FB3]  }
0x2b: {  	s6 =	sld [smem:$0x3FB4]  }
0x2c: {  	s7 =	sld [smem:$0x3FB5]  }
0x2d: {  	s3 =	simm.s32 $0x108;
	s8 =	sld [smem:$0x3FB6]  }
0x2e: {  	s3 =	simm.s32 @!p0 $0x1082;
	s9 =	sld [smem:$0x3FB7]  }
0x2f: {  	lr =	sadd.s32 s0, s3;
	s0 =	sld [smem:$0x3FAE]  }
0x30: {  	s3 =	sld [smem:$0x3FB1]  }
0x31: {  	[smem:$0x3FBA] =	sst s10  }
0x32: {  	s10 =	sld [smem:$0x3FB8];
	_ =	sdelay $0x3  }
0x33: {  	p0 =	seq.s32 s10, $0x1;
	s10 =	sld [smem:$0x3FBA];
	_ =	sdelay $0x3  }
0x34: {  	[smem:$0x3FBA] =	sst s10  }
0x35: {  	s10 =	sld [smem:$0x3FB9];
	_ =	sdelay $0x3  }
0x36: {  	p1 =	seq.s32 s10, $0x1;
	s10 =	sld [smem:$0x3FBA];
	_ =	sdelay $0x3  }
0x37: {  	[smem:$0x3FBA] =	sst s10  }
0x38: {  	s10 =	sld [smem:$0x3FBB]  }
0x39: {  	_ = 	snop;
	(pc) =	sbr.ind lr, $3  }
0x3a: {  	_ = 	snop  }
0x3b: {  	_ = 	snop  }
0x3c: {  	p2 =	seq.s32 s10, $0x1;
	s10 =	sld [smem:$0x3FBA]  }
0x3d: {  	_ =	shalt  }
0x3e: {  	_ =	shalt  }
0x3f: {  	_ =	shalt  }
0x40: {  	_ =	shalt  }
0x41: {  	_ =	shalt  }
0x42: {  	_ =	shalt  }
0x43: {  	_ =	shalt  }
0x44: {  	_ =	shalt  }
0x45: {  	_ =	shalt  }
0x46: {  	_ =	shalt  }
0x47: {  	_ =	shalt  }
0x48: {  	_ =	shalt  }
0x49: {  	_ =	shalt  }
0x4a: {  	_ =	shalt  }
0x4b: {  	_ =	shalt  }
0x4c: {  	_ =	shalt  }
0x4d: {  	_ =	shalt  }
0x4e: {  	_ =	shalt  }
0x4f: {  	_ =	shalt  }
0x50: {  	_ =	shalt  }
0x51: {  	_ =	shalt  }
0x52: {  	_ =	shalt  }
0x53: {  	_ =	shalt  }
0x54: {  	_ =	shalt  }
0x55: {  	_ =	shalt  }
0x56: {  	_ =	shalt  }
0x57: {  	_ =	shalt  }
0x58: {  	_ =	shalt  }
0x59: {  	_ =	shalt  }
0x5a: {  	_ =	shalt  }
0x5b: {  	_ =	shalt  }
0x5c: {  	_ =	shalt  }
0x5d: {  	_ =	shalt  }
0x5e: {  	_ =	shalt  }
0x5f: {  	_ =	shalt  }
0x60: {  	_ =	shalt  }
0x61: {  	_ =	shalt  }
0x62: {  	_ =	shalt  }
0x63: {  	_ =	shalt  }
0x64: {  	_ =	shalt  }
0x65: {  	_ =	shalt  }
0x66: {  	_ =	shalt  }
0x67: {  	_ =	shalt  }
0x68: {  	_ =	shalt  }
0x69: {  	_ =	shalt  }
0x6a: {  	_ =	shalt  }
0x6b: {  	_ =	shalt  }
0x6c: {  	_ =	shalt  }
0x6d: {  	_ =	shalt  }
0x6e: {  	_ =	shalt  }
0x6f: {  	_ =	shalt  }
0x70: {  	_ =	shalt  }
0x71: {  	_ =	shalt  }
0x72: {  	_ =	shalt  }
0x73: {  	_ =	shalt  }
0x74: {  	_ =	shalt  }
0x75: {  	_ =	shalt  }
0x76: {  	_ =	shalt  }
0x77: {  	_ =	shalt  }
0x78: {  	_ =	shalt  }
0x79: {  	_ =	shalt  }
0x7a: {  	_ =	shalt  }
0x7b: {  	_ =	shalt  }
0x7c: {  	_ =	shalt  }
0x7d: {  	_ =	shalt  }
0x7e: {  	_ =	shalt  }
0x7f: {  	_ =	shalt  }
0x80: {  	_ =	shalt  }
0x81: {  	_ =	shalt  }
0x82: {  	_ =	shalt  }
0x83: {  	_ =	shalt  }
0x84: {  	_ =	shalt  }
0x85: {  	_ =	shalt  }
0x86: {  	_ =	shalt  }
0x87: {  	_ =	shalt  }
.Lfunc_end0:
.L_simem_size_0:
called_computation_lowered:
.L_overlay_start_0:
0x88: {  	s2 =	sld [smem:$0x3FD9]  }
0x89: {  	s3 =	sld [smem:$0x3FFE];
	_ =	sdelay $0x1  }
0x8a: {  	s1 =	srdreg.scid  }
0x8b: {  	s0 =	sand.u32 $0x1, s1  }
0x8c: {  	s16 =	sshll.u32 s0, $0xA;
	s2 =	sadd.s32 s3, s2  }
0x8d: {  	s2 =	sadd.s32 s2, s16  }
0x8e: {  	[smem:$0x3FC6] =	sst s2  }
0x8f: {  	_ = 	snop  }
0x90: {  	(tm) =	ssettm $0x1  }
0x91: {  	s17 =	sld [smem:$0x3FFB];
	_ =	sdelay $0x3  }
0x92: {  	_ =	strace s17  }
0x93: {  	s2 =	sld [smem:$0x3FFC];
	_ =	sdelay $0x3  }
0x94: {  	_ =	strace s2  }
0x95: {  	s2 =	sld [smem:$0x3FFD];
	_ =	sdelay $0x3  }
0x96: {  	_ =	strace s2  }
0x97: {  	_ =	strace $0x8FFFFFFF  }
0x98: {  	s18 =	sld [smem:$0x3FDB];
	_ =	sdelay $0x1  }
0x99: {  	s19 =	simm.s32 $_scs_section_size  }
0x9a: {  	s4 =	simm.s32 $_size__tile_overlayer_lowered;
	s5 =	simm.s32 $_tile_overlayer_lowered  }
0x9b: {  	s22 =	simm.s32 $0x1BFF;
	s21 =	sshll.u32 s5, $0x1;
	s2 =	sadd.s32 s19, s18  }
0x9c: {  	s6 =	simm.s32 $0x0;
	s20 =	sshll.u32 s4, $0x1;
	s4 =	sadd.s32 s21, s2  }
0x9d: {  	[timem:s6], [sflag:s22] =	dma.local [hbm:s4], s20  }
0x9e: {  	_ =	swait.ge [sflag:s22], s20  }
0x9f: {  	s3 =	ssub.s32 $0x0, s20;
	[sflag:s22] =	ssyncset.done $0x0  }
0xa0: {  	[sflag:s22] =	ssyncadd.s32 s3;
	_ =	sdelay $0x1  }
0xa1: {  	s23 =	simm.s32 $0x1B8B  }
0xa2: {  	_ =	swait.ge [sflag:s23], $0x1  }
0xa3: {  	[sflag:s23] =	ssyncset.done $0x0  }
0xa4: {  	s25 =	simm.s32 $0x1B8E;
	s24 =	sld [smem:$0x3FFE];
	[sflag:s23] =	ssyncadd.s32 $0xFFFFFFFF  }
0xa5: {  	s26 =	simm.s32 $execute0_lowered;
	[smem:$0x3FD2] =	sst s25  }
0xa6: {  	s4 =	sshll.u32 s26, $0x1;
	_ =	strace $0x80000046;
	[dreg:$0x1] =	wrdreg $0xFFFFFFFF  }
0xa7: {  	s28 =	simm.s32 $_size_execute0_lowered;
	s2 =	sadd.s32 s2, s4;
	[dreg:$0x0] =	wrdreg $0x0  }
0xa8: {  	s4 =	sshll.u32 s28, $0x1;
	[dreg:$0x2] =	wrdreg s2  }
0xa9: {  	[dreg:$0x3] =	wrdreg s4  }
0xaa: {  	[dreg:$0x4] =	wrdreg $0xC0  }
0xab: {  	_ =	task [dreg:s6], $0x5FFFF  }
0xac: {  	[dreg:$0x1] =	wrdreg $0xFFFFFFFF  }
0xad: {  	[dreg:$0x0] =	wrdreg $0x60  }
0xae: {  	[dreg:$0x2] =	wrdreg s24  }
0xaf: {  	[dreg:$0x3] =	wrdreg $0x9  }
0xb0: {  	_ =	task.clear_ibuf [dreg:s6], $0x4FFFF;
	_ =	strace $0x90000046  }
0xb1: {  	s29 =	simm.s32 $0x9;
	_ =	strace $0x80000048  }
0xb2: {  	_ =	swait.ge [sflag:s29], $0x1  }
0xb3: {  	[sflag:s29] =	ssyncadd.s32 $0xFFFFFFFF  }
0xb4: {  	_ =	strace $0x90000048  }
0xb5: {  	_ =	sfence  }
0xb6: {  	s30 =	sld [smem:$0x0];
	_ =	sdelay $0x2  }
0xb7: {  	s31 =	sshll.u32 s1, $0xD;
	s1 =	sshrl.u32 s1, $0x2  }
0xb8: {  	s3 =	sand.u32 $0x4000, s31;
	s1 =	sadd.s32 s1, s30  }
0xb9: {  	s0 =	sor.u32 s3, s0;
	s1 =	sshll.u32 s1, $0x11  }
0xba: {  	s0 =	sor.u32 s1, s0  }
0xbb: {  	s0 =	sadd.s32 $0x8F2B, s0  }
0xbc: {  	[sflag:s0] =	ssyncadd.remote.s32 $0x1  }
0xbd: {  	_ =	sfence.sel $0xFFFF  }
0xbe: {  	[dreg:$0x0] =	wrdreg $0xFFFFFFFF;
	(pc) =	sbr.abs _section_cstart, $3  }
0xbf: {  	[dreg:$0x1] =	wrdreg $0xFFFFFFFF  }
0xc0: {  	_ =	task.clear_ibuf [dreg:s6], $0x2FFFF;
	_ =	strace $0x9FFFFFFF  }
0xc1: {  	(tm) =	ssettm $0x7FFFFFFF  }
tec
execute0_lowered:
.L_overlay_start_1:
0x0: {  	(tag) =	ssettag $0x1  }
0x1: {  	s1 =	srdreg.scid;
	s0 =	stileid.u32  }
0x2: {  	s6 =	sand.u32 $0x1, s1;
	s3 =	sshll.u32 s0, $0x1  }
0x3: {  	s5 =	rddreg [dreg:$0x0];
	s2 =	simm.s32 $0x0;
	s7 =	sor.u32 s6, s3  }
0x4: {  	[smem:$0x7FF] =	sst s2;
	s3 =	sshll.u32 s7, $0x4  }
0x5: {  	s1 =	rddreg [dreg:$0x1];
	_ =	strace $0x80000047;
	s3 =	sadd.s32 s3, s5  }
0x6: {  	s8 =	sshll.u32 s7, $0x7;
	s4 =	sadd.s32 $0x600, s3;
	s3 =	simm.s32 $0x2  }
0x7: {  	[tilespmem:s2], [sflag:$0x2] =	stream.linear.gather [hbm4b:s4+s2], $0x80, $0x38;
	[tilespmem:$0x200] =	vst v63  }
0x8: {  	v4 =	vlaneseq.u32;
	s9 =	sor.u32 $0x10, s8;
	v0 =	vmov s8;
	s25 =	sor.u32 $0x20, s8;
	_ =	swait.ge [sflag:s3], $0x80  }
0x9: {  	v7 =	vmul.u32 $0x7D00, v4;
	s10 =	sor.u32 $0x30, s8;
	s26 =	sor.u32 $0x40, s8;
	v0 =	vmul.u32 $0x7D00, v0;
	v1 =	vmov s9;
	[sflag:s3] =	ssyncset.done $0x0  }
0xa: {  	s28 =	sor.u32 $0x50, s8;
	s29 =	sor.u32 $0x60, s8;
	v2 =	vmov s25;
	v3 =	vmov s10;
	v6 =	vmov s26;
	[sflag:s3] =	ssyncadd.s32 $0xFFFFFF80  }
0xb: {  	s8 =	sor.u32 $0x70, s8;
	v10 =	vmov s28;
	v11 =	vmov s29;
	v1 =	vmul.u32 $0x7D00, v1;
	v4 =	vld [tilespmem:$0x10]  }
0xc: {  	s6 =	ssub.s32 $0x2, s6;
	v13 =	vmov s8;
	v2 =	vmul.u32 $0x7D00, v2;
	v3 =	vmul.u32 $0x7D00, v3;
	v9 =	vld [tilespmem:$0x20]  }
0xd: {  	s30 =	sshrl.u32 s6, $0x1;
	v6 =	vmul.u32 $0x7D00, v6;
	v10 =	vmul.u32 $0x7D00, v10;
	v1 =	vbroadcast v1, $0x0;
	v5 =	vld [tilespmem:$0x0]  }
0xe: {  	s6 =	ssub.s32 s6, s30;
	v11 =	vmul.u32 $0x7D00, v11;
	v13 =	vmul.u32 $0x7D00, v13;
	v2 =	vbroadcast v2, $0x0;
	v8 =	vld [tilespmem:$0x40]  }
0xf: {  	s11 =	smax.u32 s6, $0x1;
	v0 =	vbroadcast v0, $0x0;
	v3 =	vbroadcast v3, $0x0;
	v1 =	vadd.s32 v7, v1;
	v12 =	vld [tilespmem:$0x30]  }
0x10: {  	p0 =	sne.s32 s11, $0x1;
	v6 =	vbroadcast v6, $0x0;
	v2 =	vadd.s32 v7, v2;
	v14 =	vld [tilespmem:$0x50];
	v4 =	vadd.s32 v4, v1  }
.Ltmp0:
0x11: {  	v11 =	vbroadcast v11, $0x0;
	v0 =	vadd.s32 v7, v0;
	v9 =	vadd.s32 v9, v2;
	[tilespmem:$0x90] =	vst v4;
	(pc) =	sbr.rel @!p0 .LBB2_2-.Ltmp0, $4  }
0x12: {  	s7 =	sshll.u32 s7, $0x1;
	v10 =	vbroadcast v10, $0x0;
	v5 =	vadd.s32 v5, v0;
	v4 =	vadd.s32 v7, v6;
	[tilespmem:$0xA0] =	vst v9;
	v9 =	vld [tilespmem:$0x70]  }
0x13: {  	s31 =	sadd.s32 s7, s5;
	s7 =	sadd.s32 $0x800, s5;
	v13 =	vbroadcast v13, $0x0;
	[tilespmem:$0x80] =	vst v5;
	v5 =	vadd.s32 v7, v11;
	v11 =	vadd.s32 v8, v4;
	v8 =	vld [tilespmem:$0x60]  }
0x14: {  	s5 =	sadd.s32 $0xFA0800, s31;
	s8 =	simm.s32 $0x80;
	s9 =	simm.s32 $0x100;
	v3 =	vadd.s32 v7, v3;
	v6 =	vadd.s32 v7, v10  }
0x15: {  	s10 =	simm.s32 $0x1;
	s6 =	simm.s32 $0x180;
	s11 =	sadd.s32 $0xFFFFFFFF, s11;
	v7 =	vadd.s32 v7, v13;
	v10 =	vadd.s32 v12, v3;
	[tilespmem:$0xC0] =	vst v11;
	v11 =	vadd.s32 v14, v6  }
.LBB2_1:
0x16: {  	p0 =	sne.s32 s11, $0x1;
	s11 =	sadd.s32 $0xFFFFFFFF, s11;
	[tilespmem:$0xB0] =	vst v10  }
0x17: {  	[tilespmem:$0xD0] =	vst v11;
	v9 =	vadd.s32 v9, v7  }
0x18: {  	v8 =	vadd.s32 v8, v5;
	[tilespmem:$0xF0] =	vst v9  }
0x19: {  	[tilespmem:$0xE0] =	vst v8  }
0x1a: {  	[tilespmem:s9], [sflag:$0x1] =	stream.indirect.gather [hbm4b:s7+s8], $0x1, s8, s8, $0xb8;
	[tilespmem:$0x200] =	vst v63  }
0x1b: {  	_ =	swait.ge [sflag:s10], $0x80  }
0x1c: {  	[sflag:s10] =	ssyncset.done $0x0  }
0x1d: {  	[sflag:s10] =	ssyncadd.s32 $0xFFFFFF80  }
0x1e: {  	v8 =	vld [tilespmem:$0x100]  }
0x1f: {  	v9 =	vld [tilespmem:$0x110]  }
0x20: {  	v10 =	vld [tilespmem:$0x130]  }
0x21: {  	v11 =	vld [tilespmem:$0x120];
	_ =	sdelay $0x1  }
0x22: {  	v12 =	vld [tilespmem:$0x140]  }
0x23: {  	v8 =	vadd.f32 v9, v8  }
0x24: {  	v9 =	vld [tilespmem:$0x150]  }
0x25: {  	v8 =	vadd.f32 v11, v8  }
0x26: {  	v11 =	vld [tilespmem:$0x160]  }
0x27: {  	v8 =	vadd.f32 v10, v8  }
0x28: {  	v10 =	vld [tilespmem:$0x170]  }
0x29: {  	v8 =	vadd.f32 v12, v8;
	_ =	sdelay $0x1  }
0x2a: {  	v8 =	vadd.f32 v9, v8;
	_ =	sdelay $0x1  }
0x2b: {  	v8 =	vadd.f32 v11, v8;
	_ =	sdelay $0x1  }
0x2c: {  	v8 =	vadd.f32 v10, v8;
	_ =	sdelay $0x1  }
0x2d: {  	[tilespmem:$0x180] =	vst v8  }
0x2e: {  	[hbm4b:s5+s2] =	stream.linear.scatter [tilespmem:s6], [sflag:$0x2], $0x10, $0x38;
	[tilespmem:$0x200] =	vst v63  }
0x2f: {  	_ =	swait.ge [sflag:s3], $0x10  }
0x30: {  	[sflag:s3] =	ssyncset.done $0x0  }
0x31: {  	[sflag:s3] =	ssyncadd.s32 $0xFFFFFFF0  }
0x32: {  	[tilespmem:s2], [sflag:$0x2] =	stream.linear.gather [hbm4b:s4+s2], $0x80, $0x38;
	[tilespmem:$0x200] =	vst v63  }
0x33: {  	_ =	swait.ge [sflag:s3], $0x80  }
0x34: {  	[sflag:s3] =	ssyncset.done $0x0  }
0x35: {  	[sflag:s3] =	ssyncadd.s32 $0xFFFFFF80  }
0x36: {  	v8 =	vld [tilespmem:$0x10]  }
0x37: {  	v9 =	vld [tilespmem:$0x40]  }
0x38: {  	v10 =	vld [tilespmem:$0x0]  }
0x39: {  	v11 =	vld [tilespmem:$0x20]  }
0x3a: {  	v12 =	vld [tilespmem:$0x30]  }
0x3b: {  	v8 =	vadd.s32 v8, v1;
	v13 =	vld [tilespmem:$0x50]  }
.Ltmp1:
0x3c: {  	[tilespmem:$0x90] =	vst v8;
	v14 =	vadd.s32 v9, v4;
	v8 =	vld [tilespmem:$0x60];
	(pc) =	sbr.rel @p0 .LBB2_1-.Ltmp1, $4  }
0x3d: {  	v10 =	vadd.s32 v10, v0;
	v9 =	vld [tilespmem:$0x70]  }
0x3e: {  	[tilespmem:$0x80] =	vst v10;
	v10 =	vadd.s32 v11, v2  }
0x3f: {  	[tilespmem:$0xA0] =	vst v10;
	v10 =	vadd.s32 v12, v3  }
0x40: {  	[tilespmem:$0xC0] =	vst v14;
	v11 =	vadd.s32 v13, v6  }
.LBB2_2:
0x41: {  	[tilespmem:$0xB0] =	vst v10  }
0x42: {  	[tilespmem:$0xD0] =	vst v11;
	v0 =	vadd.s32 v9, v7  }
0x43: {  	v1 =	vadd.s32 v8, v5;
	[tilespmem:$0xF0] =	vst v0  }
0x44: {  	[tilespmem:$0xE0] =	vst v1  }
0x45: {  	[tilespmem:s9], [sflag:$0x1] =	stream.indirect.gather [hbm4b:s7+s8], $0x1, s8, s8, $0xb8;
	[tilespmem:$0x200] =	vst v63  }
0x46: {  	_ =	swait.ge [sflag:s10], $0x80  }
0x47: {  	[sflag:s10] =	ssyncset.done $0x0  }
0x48: {  	[sflag:s10] =	ssyncadd.s32 $0xFFFFFF80  }
0x49: {  	v58 =	vld [tilespmem:$0x100]  }
0x4a: {  	v59 =	vld [tilespmem:$0x110];
	_ =	sdelay $0x1  }
0x4b: {  	v2 =	vld [tilespmem:$0x120];
	_ =	sdelay $0x1  }
0x4c: {  	v3 =	vld [tilespmem:$0x130]  }
0x4d: {  	v0 =	vadd.f32 v59, v58  }
0x4e: {  	v60 =	vld [tilespmem:$0x140]  }
0x4f: {  	v0 =	vadd.f32 v2, v0  }
0x50: {  	v61 =	vld [tilespmem:$0x150]  }
0x51: {  	v0 =	vadd.f32 v3, v0  }
0x52: {  	v62 =	vld [tilespmem:$0x160]  }
0x53: {  	v0 =	vadd.f32 v60, v0  }
0x54: {  	v63 =	vld [tilespmem:$0x170]  }
0x55: {  	v0 =	vadd.f32 v61, v0;
	_ =	sdelay $0x1  }
0x56: {  	v0 =	vadd.f32 v62, v0;
	_ =	sdelay $0x1  }
0x57: {  	v0 =	vadd.f32 v63, v0;
	_ =	sdelay $0x1  }
0x58: {  	[tilespmem:$0x180] =	vst v0  }
0x59: {  	[hbm4b:s5+s2] =	stream.linear.scatter [tilespmem:s6], [sflag:$0x2], $0x10, $0x38;
	[tilespmem:$0x200] =	vst v63  }
0x5a: {  	_ =	swait.ge [sflag:s3], $0x10  }
0x5b: {  	[sflag:s3] =	ssyncset.done $0x0  }
0x5c: {  	[sflag:s3] =	ssyncadd.s32 $0xFFFFFFF0  }
0x5d: {  	_ =	sfence.sel $0x180000  }
0x5e: {  	[bflag:$0x0] =	sbarrier.arrive $0xFFFF  }
0x5f: {  	p0 =	sne.s32 s0, $0x0;
	_ =	strace $0x90000047  }
0x60: {  	s0 =	sadd.s32 @!p0 $0x100000, s1;
	[bflag:$0x2] =	sbarrier.arrive $0xFFFF  }
0x61: {  	[sflag:s0] =	ssyncadd.tile.s32 @!p0 $0x1;
	_ =	shalt  }
.Lfunc_end2:
_tile_overlayer_lowered:
.L_overlay_start_2:
0x62: {  	(tag) =	ssettag $0x2  }
0x63: {  	s0 =	rddreg [dreg:$0x0];
	s2 =	stileid.u32  }
0x64: {  	s1 =	rddreg [dreg:$0x1];
	p0 =	sne.s32 s2, $0x0  }
0x65: {  	s3 =	rddreg [dreg:$0x2];
	[bflag:$0x3] =	sbarrier.arrive $0xFFFF;
	s2 =	simm.s32 @!p0 $0x1C02  }
0x66: {  	[timem:s3], [sflag:s2] =	dma.local @!p0 [hbm:s0], s1  }
0x67: {  	s0 =	simm.s32 @!p0 $0x2  }
0x68: {  	_ =	swait.ge @!p0 [sflag:s0], s1  }
0x69: {  	s1 =	ssub.s32 @!p0 $0x0, s1;
	[sflag:s0] =	ssyncset.done @!p0 $0x0  }
0x6a: {  	[sflag:s0] =	ssyncadd.s32 @!p0 s1  }
0x6b: {  	[bflag:$0x3] =	sbarrier.arrive $0xFFFF  }
0x6c: {  	_ =	shalt  }

</sc_bundles>
